<compile_context>
chip_gen: v7x
topology: tpu7x:2x2x1
jax: 0.10.2.dev20260603
libtpu: 0.0.44.dev20260713+nightly
codegen_flags: <defaults>
</compile_context>

<pallas_src>
import functools

import jax
import jax.numpy as jnp
from jax import lax
from jax.experimental import pallas as pl
from jax.experimental.pallas import tpu as pltpu
from jax.experimental.pallas import tpu_sc as plsc

N_MASKS = 100000
N_PROTOTYPES = 64
BATCH = 16384

_NC = 2
_NS = 16
_NW = _NC * _NS
_LANES = 16

_FPW = N_PROTOTYPES // _NW
_NQ = 4
_QB = BATCH // _NQ
_NB = _QB // _LANES

_mesh = plsc.VectorSubcoreMesh(core_axis_name="c", subcore_axis_name="s")


@functools.partial(
    pl.kernel,
    out_type=jax.ShapeDtypeStruct((N_PROTOTYPES, BATCH), jnp.float32),
    mesh=_mesh,
    scratch_types=[
        pltpu.VMEM((N_MASKS,), jnp.float32),
        pltpu.VMEM((BATCH,), jnp.int32),
        pltpu.VMEM_SHARED((BATCH,), jnp.int32),
        pltpu.VMEM((_QB,), jnp.float32),
        pltpu.VMEM((_QB,), jnp.float32),
        pltpu.SemaphoreType.DMA,
        pltpu.SemaphoreType.DMA,
        pltpu.SemaphoreType.DMA,
        pltpu.SemaphoreType.DMA,
        pltpu.SemaphoreType.DMA,
    ],
    compiler_params=pltpu.CompilerParams(
        use_tc_tiling_on_sc=True, needs_layout_passes=False
    ),
)
def _proto_mul(
    table_hbm, idx_hbm, in_hbm, out_hbm,
    plane_v, idx_v, idx_sh, io0, io1, sem_p, sem_i, sem_l, sem_s0, sem_s1,
):
    sid = lax.axis_index("s")
    wid = sid * _NC + lax.axis_index("c")
    bufs = (io0, io1)
    ssems = (sem_s0, sem_s1)

    plane_cp = pltpu.async_copy(table_hbm.at[wid], plane_v, sem_p)
    first_load = pltpu.async_copy(in_hbm.at[wid, pl.ds(0, _QB)], bufs[0], sem_l)

    seg = BATCH // _NS
    pltpu.async_copy(
        idx_hbm.at[pl.ds(sid * seg, seg)], idx_sh.at[pl.ds(sid * seg, seg)], sem_i
    ).wait()
    plsc.subcore_barrier()
    idx_cp = pltpu.async_copy(idx_sh, idx_v, sem_i)

    for fp in range(_FPW):
        f = wid + fp * _NW
        if fp > 0:
            plane_cp = pltpu.async_copy(table_hbm.at[f], plane_v, sem_p)
            first_load = pltpu.async_copy(
                in_hbm.at[f, pl.ds(0, _QB)], bufs[0], sem_l
            )
        loads = [first_load]
        stores = [None, None]
        plane_cp.wait()
        if fp == 0:
            idx_cp.wait()

        for q in range(_NQ):
            cur = bufs[q % 2]
            if q + 1 < _NQ:
                nxt = bufs[(q + 1) % 2]
                if stores[(q + 1) % 2] is not None:
                    stores[(q + 1) % 2].wait()
                    stores[(q + 1) % 2] = None
                loads.append(
                    pltpu.async_copy(
                        in_hbm.at[f, pl.ds((q + 1) * _QB, _QB)], nxt, sem_l
                    )
                )
            loads[q].wait()

            qbase = q * _QB

            @plsc.parallel_loop(0, _NB, unroll=8)
            def _blk(bb):
                sl = pl.ds(bb * _LANES, _LANES)
                iv = idx_v[pl.ds(qbase + bb * _LANES, _LANES)]
                x = plsc.load_gather(plane_v, [iv])
                y = cur[sl]
                cur[sl] = y / (1.0 + jnp.exp(-x))

            stores[q % 2] = pltpu.async_copy(
                cur, out_hbm.at[f, pl.ds(qbase, _QB)], ssems[q % 2]
            )
        for s in stores:
            if s is not None:
                s.wait()


def kernel(in_repr, mask_idx, prototype_knobs):
    out_t = _proto_mul(prototype_knobs.T, mask_idx.astype(jnp.int32), in_repr.T)
    return out_t.T

# --- scband reference (transcript-rebuilt; emitter-appended) ---
"""Pipeline reference for scband-prototype-multiply-14525579395109 (READ-ONLY COPY).

The authoritative reference and input builder live on the scoring server;
editing this copy changes nothing except your own understanding.
"""

import jax, jax.numpy as jnp
import numpy as np

N_MASKS = 100000
N_PROTOTYPES = 64
BATCH = 16384

def setup_inputs(seed: int = 0) -> dict:
    key = jax.random.key(seed)
    k1, k2, k3 = jax.random.split(key, 3)
    in_repr = jax.random.normal(k1, (BATCH, N_PROTOTYPES), dtype=jnp.float32)
    mask_idx = jax.random.randint(k2, (BATCH,), 0, N_MASKS, dtype=jnp.int64 if jax.config.jax_enable_x64 else jnp.int32)
    # faithful to torch init: 0.25 * randn(n_masks, n_prototypes) + 2
    prototype_knobs = 0.25 * jax.random.normal(k3, (N_MASKS, N_PROTOTYPES), dtype=jnp.float32) + 2.0
    return {"in_repr": in_repr, "mask_idx": mask_idx, "prototype_knobs": prototype_knobs}

def reference(in_repr, mask_idx, prototype_knobs):
    # knobs = self.prototype_knobs[mask_idx]  (embedding gather)
    knobs = jnp.take(prototype_knobs, mask_idx, axis=0)
    knobs = jax.nn.sigmoid(knobs)
    return in_repr * knobs

if __name__ == "__main__":
    import jax
    _d = setup_inputs()
    print(jax.jit(kernel)(*tuple(_d.values())))

</pallas_src>

<mosaic_0001>
#map = affine_map<(d0, d1) -> (0, 0)>
#map1 = affine_map<(d0, d1) -> (0)>
module attributes {stable_mosaic.version = 14 : i64} {
  func.func @_proto_mul(%arg0: i32, %arg1: i32, %arg2: memref<64x100000xf32, #tpu.memory_space<hbm>>, %arg3: memref<16384xi32, #tpu.memory_space<hbm>>, %arg4: memref<64x16384xf32, #tpu.memory_space<hbm>>, %arg5: memref<64x16384xf32, #tpu.memory_space<hbm>>, %arg6: memref<100000xf32, #tpu.memory_space<vmem>>, %arg7: memref<16384xi32, #tpu.memory_space<vmem>>, %arg8: memref<16384xi32, #tpu.memory_space<vmem_shared>>, %arg9: memref<4096xf32, #tpu.memory_space<vmem>>, %arg10: memref<4096xf32, #tpu.memory_space<vmem>>, %arg11: memref<!tpu.dma_semaphore, #tpu.memory_space<semaphore_mem>>, %arg12: memref<!tpu.dma_semaphore, #tpu.memory_space<semaphore_mem>>, %arg13: memref<!tpu.dma_semaphore, #tpu.memory_space<semaphore_mem>>, %arg14: memref<!tpu.dma_semaphore, #tpu.memory_space<semaphore_mem>>, %arg15: memref<!tpu.dma_semaphore, #tpu.memory_space<semaphore_mem>>) attributes {dimension_semantics = [#tpu.dimension_semantics<core_parallel>, #tpu.dimension_semantics<subcore_parallel>], iteration_bounds = array<i64: 2, 16>, scalar_prefetch = 0 : i64, scratch_operands = 10 : i64, tpu.core_type = #tpu.core_type<sc_vector_subcore>, window_params = [{transform_indices = #map}, {transform_indices = #map1}, {transform_indices = #map}, {transform_indices = #map}]} {
    %mul3A = arith.constant 2 : i32
    %mul3A_0 = arith.muli %arg1, %mul3A : i32
    %add3A = arith.addi %mul3A_0, %arg0 : i32
    %dma_start3A = arith.constant 0 : i32
    %dma_start3A_1 = tpu.memref_slice %arg2[%add3A, %dma_start3A] : memref<64x100000xf32, #tpu.memory_space<hbm>> -> memref<1x100000xf32, #tpu.memory_space<hbm>>
    %dma_start3A_2 = tpu.memref_squeeze %dma_start3A_1 : memref<1x100000xf32, #tpu.memory_space<hbm>> -> memref<100000xf32, #tpu.memory_space<hbm>>
    %dma_start3A_3 = arith.constant 0 : i32
    %dma_start3A_4 = tpu.memref_slice %arg2[%add3A, %dma_start3A_3] : memref<64x100000xf32, #tpu.memory_space<hbm>> -> memref<1x100000xf32, #tpu.memory_space<hbm>>
    %dma_start3A_5 = tpu.memref_squeeze %dma_start3A_4 : memref<1x100000xf32, #tpu.memory_space<hbm>> -> memref<100000xf32, #tpu.memory_space<hbm>>
    tpu.enqueue_dma source(%dma_start3A_5 : memref<100000xf32, #tpu.memory_space<hbm>>) target(%arg6 : memref<100000xf32, #tpu.memory_space<vmem>>) target_semaphore(%arg11 : memref<!tpu.dma_semaphore, #tpu.memory_space<semaphore_mem>>)
    %dma_start3A_6 = arith.constant 0 : i32
    %dma_start3A_7 = tpu.memref_slice %arg4[%add3A, %dma_start3A_6] : memref<64x16384xf32, #tpu.memory_space<hbm>> -> memref<1x4096xf32, #tpu.memory_space<hbm>>
    %dma_start3A_8 = tpu.memref_squeeze %dma_start3A_7 : memref<1x4096xf32, #tpu.memory_space<hbm>> -> memref<4096xf32, #tpu.memory_space<hbm>>
    %dma_start3A_9 = arith.constant 0 : i32
    %dma_start3A_10 = tpu.memref_slice %arg4[%add3A, %dma_start3A_9] : memref<64x16384xf32, #tpu.memory_space<hbm>> -> memref<1x4096xf32, #tpu.memory_space<hbm>>
    %dma_start3A_11 = tpu.memref_squeeze %dma_start3A_10 : memref<1x4096xf32, #tpu.memory_space<hbm>> -> memref<4096xf32, #tpu.memory_space<hbm>>
    tpu.enqueue_dma source(%dma_start3A_11 : memref<4096xf32, #tpu.memory_space<hbm>>) target(%arg9 : memref<4096xf32, #tpu.memory_space<vmem>>) target_semaphore(%arg13 : memref<!tpu.dma_semaphore, #tpu.memory_space<semaphore_mem>>)
    %mul3A_12 = arith.constant 1024 : i32
    %mul3A_13 = arith.muli %arg1, %mul3A_12 : i32
    %mul3A_14 = arith.constant 1024 : i32
    %mul3A_15 = arith.muli %arg1, %mul3A_14 : i32
    %dma_start3A_16 = tpu.memref_slice %arg8[%mul3A_15] : memref<16384xi32, #tpu.memory_space<vmem_shared>> -> memref<1024xi32, #tpu.memory_space<vmem_shared>>
    %dma_start3A_17 = tpu.memref_slice %arg3[%mul3A_13] : memref<16384xi32, #tpu.memory_space<hbm>> -> memref<1024xi32, #tpu.memory_space<hbm>>
    tpu.enqueue_dma source(%dma_start3A_17 : memref<1024xi32, #tpu.memory_space<hbm>>) target(%dma_start3A_16 : memref<1024xi32, #tpu.memory_space<vmem_shared>>) target_semaphore(%arg12 : memref<!tpu.dma_semaphore, #tpu.memory_space<semaphore_mem>>)
    %dma_wait3A = tpu.memref_slice %arg8[%mul3A_15] : memref<16384xi32, #tpu.memory_space<vmem_shared>> -> memref<1024xi32, #tpu.memory_space<vmem_shared>>
    %dma_wait3A_18 = tpu.memref_slice %arg3[%mul3A_13] : memref<16384xi32, #tpu.memory_space<hbm>> -> memref<1024xi32, #tpu.memory_space<hbm>>
    tpu.wait_dma2 semaphore(%arg12 : memref<!tpu.dma_semaphore, #tpu.memory_space<semaphore_mem>>) src(%dma_wait3A_18 : memref<1024xi32, #tpu.memory_space<hbm>>) dst(%dma_wait3A : memref<1024xi32, #tpu.memory_space<vmem_shared>>)
    %barrier3A = arith.constant 0 : index
    tpu.barrier barrier_id(%barrier3A)
    tpu.enqueue_dma source(%arg8 : memref<16384xi32, #tpu.memory_space<vmem_shared>>) target(%arg7 : memref<16384xi32, #tpu.memory_space<vmem>>) target_semaphore(%arg12 : memref<!tpu.dma_semaphore, #tpu.memory_space<semaphore_mem>>)
    %add3A_19 = arith.constant 0 : i32
    %add3A_20 = arith.addi %add3A, %add3A_19 : i32
    %dma_wait3A_21 = arith.constant 0 : i32
    %dma_wait3A_22 = tpu.memref_slice %arg2[%add3A, %dma_wait3A_21] : memref<64x100000xf32, #tpu.memory_space<hbm>> -> memref<1x100000xf32, #tpu.memory_space<hbm>>
    %dma_wait3A_23 = tpu.memref_squeeze %dma_wait3A_22 : memref<1x100000xf32, #tpu.memory_space<hbm>> -> memref<100000xf32, #tpu.memory_space<hbm>>
    %dma_wait3A_24 = arith.constant 0 : i32
    %dma_wait3A_25 = tpu.memref_slice %arg2[%add3A, %dma_wait3A_24] : memref<64x100000xf32, #tpu.memory_space<hbm>> -> memref<1x100000xf32, #tpu.memory_space<hbm>>
    %dma_wait3A_26 = tpu.memref_squeeze %dma_wait3A_25 : memref<1x100000xf32, #tpu.memory_space<hbm>> -> memref<100000xf32, #tpu.memory_space<hbm>>
    tpu.wait_dma2 semaphore(%arg11 : memref<!tpu.dma_semaphore, #tpu.memory_space<semaphore_mem>>) src(%dma_wait3A_26 : memref<100000xf32, #tpu.memory_space<hbm>>) dst(%arg6 : memref<100000xf32, #tpu.memory_space<vmem>>)
    tpu.wait_dma2 semaphore(%arg12 : memref<!tpu.dma_semaphore, #tpu.memory_space<semaphore_mem>>) src(%arg8 : memref<16384xi32, #tpu.memory_space<vmem_shared>>) dst(%arg7 : memref<16384xi32, #tpu.memory_space<vmem>>)
    %dma_start3A_27 = arith.constant 4096 : i32
    %dma_start3A_28 = tpu.memref_slice %arg4[%add3A_20, %dma_start3A_27] : memref<64x16384xf32, #tpu.memory_space<hbm>> -> memref<1x4096xf32, #tpu.memory_space<hbm>>
    %dma_start3A_29 = tpu.memref_squeeze %dma_start3A_28 : memref<1x4096xf32, #tpu.memory_space<hbm>> -> memref<4096xf32, #tpu.memory_space<hbm>>
    %dma_start3A_30 = arith.constant 4096 : i32
    %dma_start3A_31 = tpu.memref_slice %arg4[%add3A_20, %dma_start3A_30] : memref<64x16384xf32, #tpu.memory_space<hbm>> -> memref<1x4096xf32, #tpu.memory_space<hbm>>
    %dma_start3A_32 = tpu.memref_squeeze %dma_start3A_31 : memref<1x4096xf32, #tpu.memory_space<hbm>> -> memref<4096xf32, #tpu.memory_space<hbm>>
    tpu.enqueue_dma source(%dma_start3A_32 : memref<4096xf32, #tpu.memory_space<hbm>>) target(%arg10 : memref<4096xf32, #tpu.memory_space<vmem>>) target_semaphore(%arg13 : memref<!tpu.dma_semaphore, #tpu.memory_space<semaphore_mem>>)
    %dma_wait3A_33 = arith.constant 0 : i32
    %dma_wait3A_34 = tpu.memref_slice %arg4[%add3A, %dma_wait3A_33] : memref<64x16384xf32, #tpu.memory_space<hbm>> -> memref<1x4096xf32, #tpu.memory_space<hbm>>
    %dma_wait3A_35 = tpu.memref_squeeze %dma_wait3A_34 : memref<1x4096xf32, #tpu.memory_space<hbm>> -> memref<4096xf32, #tpu.memory_space<hbm>>
    %dma_wait3A_36 = arith.constant 0 : i32
    %dma_wait3A_37 = tpu.memref_slice %arg4[%add3A, %dma_wait3A_36] : memref<64x16384xf32, #tpu.memory_space<hbm>> -> memref<1x4096xf32, #tpu.memory_space<hbm>>
    %dma_wait3A_38 = tpu.memref_squeeze %dma_wait3A_37 : memref<1x4096xf32, #tpu.memory_space<hbm>> -> memref<4096xf32, #tpu.memory_space<hbm>>
    tpu.wait_dma2 semaphore(%arg13 : memref<!tpu.dma_semaphore, #tpu.memory_space<semaphore_mem>>) src(%dma_wait3A_38 : memref<4096xf32, #tpu.memory_space<hbm>>) dst(%arg9 : memref<4096xf32, #tpu.memory_space<vmem>>)
    %parallel_loop3A = arith.constant 0 : i32
    %parallel_loop3A_39 = arith.constant 256 : i32
    %parallel_loop3A_40 = arith.constant 1 : i32
    scf.for %parallel_loop3A_250 = %parallel_loop3A to %parallel_loop3A_39 step %parallel_loop3A_40  : i32 {
      %parallel_loop3A_251 = arith.constant 16 : i32
      %parallel_loop3A_252 = arith.muli %parallel_loop3A_250, %parallel_loop3A_251 : i32
      %parallel_loop3A_253 = arith.constant 16 : i32
      %parallel_loop3A_254 = arith.muli %parallel_loop3A_250, %parallel_loop3A_253 : i32
      %parallel_loop3A_255 = arith.constant 0 : i32
      %parallel_loop3A_256 = arith.addi %parallel_loop3A_255, %parallel_loop3A_254 : i32
      %parallel_loop3A_257 = arith.index_cast %parallel_loop3A_256 : i32 to index
      %parallel_loop3A_258 = tpu.vector_load %arg7[%parallel_loop3A_257] {strides = array<i32>} : memref<16384xi32, #tpu.memory_space<vmem>>, vector<16xi32>,
      %parallel_loop3A_259 = tpu.vector_load_idx %arg6[%parallel_loop3A_258] : memref<100000xf32, #tpu.memory_space<vmem>>[vector<16xi32>], vector<16xf32>,
      %parallel_loop3A_260 = arith.index_cast %parallel_loop3A_252 : i32 to index
      %parallel_loop3A_261 = tpu.vector_load %arg9[%parallel_loop3A_260] {strides = array<i32>} : memref<4096xf32, #tpu.memory_space<vmem>>, vector<16xf32>,
      %parallel_loop3A_262 = arith.constant 0.000000e+00 : f32
      %parallel_loop3A_263 = vector.broadcast %parallel_loop3A_262 : f32 to vector<16xf32>
      %parallel_loop3A_264 = arith.subf %parallel_loop3A_263, %parallel_loop3A_259 : vector<16xf32>
      %parallel_loop3A_265 = math.exp %parallel_loop3A_264 : vector<16xf32>
      %parallel_loop3A_266 = arith.constant 1.000000e+00 : f32
      %parallel_loop3A_267 = vector.broadcast %parallel_loop3A_266 : f32 to vector<16xf32>
      %parallel_loop3A_268 = arith.addf %parallel_loop3A_267, %parallel_loop3A_265 : vector<16xf32>
      %parallel_loop3A_269 = arith.divf %parallel_loop3A_261, %parallel_loop3A_268 : vector<16xf32>
      %parallel_loop3A_270 = arith.index_cast %parallel_loop3A_252 : i32 to index
      %parallel_loop3A_271 = tpu.vector_load %arg9[%parallel_loop3A_270] {strides = array<i32>} : memref<4096xf32, #tpu.memory_space<vmem>>, vector<16xf32>,
      tpu.vector_store %arg9[%parallel_loop3A_270], %parallel_loop3A_269 {strides = array<i32>} : memref<4096xf32, #tpu.memory_space<vmem>>, vector<16xf32>,
    } {sc.loop_unroll_factor = 8 : i64, sc.parallel_access}
    %dma_start3A_41 = arith.constant 0 : i32
    %dma_start3A_42 = tpu.memref_slice %arg5[%add3A_20, %dma_start3A_41] : memref<64x16384xf32, #tpu.memory_space<hbm>> -> memref<1x4096xf32, #tpu.memory_space<hbm>>
    %dma_start3A_43 = tpu.memref_squeeze %dma_start3A_42 : memref<1x4096xf32, #tpu.memory_space<hbm>> -> memref<4096xf32, #tpu.memory_space<hbm>>
    %dma_start3A_44 = arith.constant 0 : i32
    %dma_start3A_45 = tpu.memref_slice %arg5[%add3A_20, %dma_start3A_44] : memref<64x16384xf32, #tpu.memory_space<hbm>> -> memref<1x4096xf32, #tpu.memory_space<hbm>>
    %dma_start3A_46 = tpu.memref_squeeze %dma_start3A_45 : memref<1x4096xf32, #tpu.memory_space<hbm>> -> memref<4096xf32, #tpu.memory_space<hbm>>
    tpu.enqueue_dma source(%arg9 : memref<4096xf32, #tpu.memory_space<vmem>>) target(%dma_start3A_46 : memref<4096xf32, #tpu.memory_space<hbm>>) target_semaphore(%arg14 : memref<!tpu.dma_semaphore, #tpu.memory_space<semaphore_mem>>)
    %dma_wait3A_47 = arith.constant 0 : i32
    %dma_wait3A_48 = tpu.memref_slice %arg5[%add3A_20, %dma_wait3A_47] : memref<64x16384xf32, #tpu.memory_space<hbm>> -> memref<1x4096xf32, #tpu.memory_space<hbm>>
    %dma_wait3A_49 = tpu.memref_squeeze %dma_wait3A_48 : memref<1x4096xf32, #tpu.memory_space<hbm>> -> memref<4096xf32, #tpu.memory_space<hbm>>
    %dma_wait3A_50 = arith.constant 0 : i32
    %dma_wait3A_51 = tpu.memref_slice %arg5[%add3A_20, %dma_wait3A_50] : memref<64x16384xf32, #tpu.memory_space<hbm>> -> memref<1x4096xf32, #tpu.memory_space<hbm>>
    %dma_wait3A_52 = tpu.memref_squeeze %dma_wait3A_51 : memref<1x4096xf32, #tpu.memory_space<hbm>> -> memref<4096xf32, #tpu.memory_space<hbm>>
    tpu.wait_dma2 semaphore(%arg14 : memref<!tpu.dma_semaphore, #tpu.memory_space<semaphore_mem>>) src(%arg9 : memref<4096xf32, #tpu.memory_space<vmem>>) dst(%dma_wait3A_52 : memref<4096xf32, #tpu.memory_space<hbm>>)
    %dma_start3A_53 = arith.constant 8192 : i32
    %dma_start3A_54 = tpu.memref_slice %arg4[%add3A_20, %dma_start3A_53] : memref<64x16384xf32, #tpu.memory_space<hbm>> -> memref<1x4096xf32, #tpu.memory_space<hbm>>
    %dma_start3A_55 = tpu.memref_squeeze %dma_start3A_54 : memref<1x4096xf32, #tpu.memory_space<hbm>> -> memref<4096xf32, #tpu.memory_space<hbm>>
    %dma_start3A_56 = arith.constant 8192 : i32
    %dma_start3A_57 = tpu.memref_slice %arg4[%add3A_20, %dma_start3A_56] : memref<64x16384xf32, #tpu.memory_space<hbm>> -> memref<1x4096xf32, #tpu.memory_space<hbm>>
    %dma_start3A_58 = tpu.memref_squeeze %dma_start3A_57 : memref<1x4096xf32, #tpu.memory_space<hbm>> -> memref<4096xf32, #tpu.memory_space<hbm>>
    tpu.enqueue_dma source(%dma_start3A_58 : memref<4096xf32, #tpu.memory_space<hbm>>) target(%arg9 : memref<4096xf32, #tpu.memory_space<vmem>>) target_semaphore(%arg13 : memref<!tpu.dma_semaphore, #tpu.memory_space<semaphore_mem>>)
    %dma_wait3A_59 = arith.constant 4096 : i32
    %dma_wait3A_60 = tpu.memref_slice %arg4[%add3A_20, %dma_wait3A_59] : memref<64x16384xf32, #tpu.memory_space<hbm>> -> memref<1x4096xf32, #tpu.memory_space<hbm>>
    %dma_wait3A_61 = tpu.memref_squeeze %dma_wait3A_60 : memref<1x4096xf32, #tpu.memory_space<hbm>> -> memref<4096xf32, #tpu.memory_space<hbm>>
    %dma_wait3A_62 = arith.constant 4096 : i32
    %dma_wait3A_63 = tpu.memref_slice %arg4[%add3A_20, %dma_wait3A_62] : memref<64x16384xf32, #tpu.memory_space<hbm>> -> memref<1x4096xf32, #tpu.memory_space<hbm>>
    %dma_wait3A_64 = tpu.memref_squeeze %dma_wait3A_63 : memref<1x4096xf32, #tpu.memory_space<hbm>> -> memref<4096xf32, #tpu.memory_space<hbm>>
    tpu.wait_dma2 semaphore(%arg13 : memref<!tpu.dma_semaphore, #tpu.memory_space<semaphore_mem>>) src(%dma_wait3A_64 : memref<4096xf32, #tpu.memory_space<hbm>>) dst(%arg10 : memref<4096xf32, #tpu.memory_space<vmem>>)
    %parallel_loop3A_65 = arith.constant 0 : i32
    %parallel_loop3A_66 = arith.constant 256 : i32
    %parallel_loop3A_67 = arith.constant 1 : i32
    scf.for %parallel_loop3A_250 = %parallel_loop3A_65 to %parallel_loop3A_66 step %parallel_loop3A_67  : i32 {
      %parallel_loop3A_251 = arith.constant 16 : i32
      %parallel_loop3A_252 = arith.muli %parallel_loop3A_250, %parallel_loop3A_251 : i32
      %parallel_loop3A_253 = arith.constant 16 : i32
      %parallel_loop3A_254 = arith.muli %parallel_loop3A_250, %parallel_loop3A_253 : i32
      %parallel_loop3A_255 = arith.constant 4096 : i32
      %parallel_loop3A_256 = arith.addi %parallel_loop3A_255, %parallel_loop3A_254 : i32
      %parallel_loop3A_257 = arith.index_cast %parallel_loop3A_256 : i32 to index
      %parallel_loop3A_258 = tpu.vector_load %arg7[%parallel_loop3A_257] {strides = array<i32>} : memref<16384xi32, #tpu.memory_space<vmem>>, vector<16xi32>,
      %parallel_loop3A_259 = tpu.vector_load_idx %arg6[%parallel_loop3A_258] : memref<100000xf32, #tpu.memory_space<vmem>>[vector<16xi32>], vector<16xf32>,
      %parallel_loop3A_260 = arith.index_cast %parallel_loop3A_252 : i32 to index
      %parallel_loop3A_261 = tpu.vector_load %arg10[%parallel_loop3A_260] {strides = array<i32>} : memref<4096xf32, #tpu.memory_space<vmem>>, vector<16xf32>,
      %parallel_loop3A_262 = arith.constant 0.000000e+00 : f32
      %parallel_loop3A_263 = vector.broadcast %parallel_loop3A_262 : f32 to vector<16xf32>
      %parallel_loop3A_264 = arith.subf %parallel_loop3A_263, %parallel_loop3A_259 : vector<16xf32>
      %parallel_loop3A_265 = math.exp %parallel_loop3A_264 : vector<16xf32>
      %parallel_loop3A_266 = arith.constant 1.000000e+00 : f32
      %parallel_loop3A_267 = vector.broadcast %parallel_loop3A_266 : f32 to vector<16xf32>
      %parallel_loop3A_268 = arith.addf %parallel_loop3A_267, %parallel_loop3A_265 : vector<16xf32>
      %parallel_loop3A_269 = arith.divf %parallel_loop3A_261, %parallel_loop3A_268 : vector<16xf32>
      %parallel_loop3A_270 = arith.index_cast %parallel_loop3A_252 : i32 to index
      %parallel_loop3A_271 = tpu.vector_load %arg10[%parallel_loop3A_270] {strides = array<i32>} : memref<4096xf32, #tpu.memory_space<vmem>>, vector<16xf32>,
      tpu.vector_store %arg10[%parallel_loop3A_270], %parallel_loop3A_269 {strides = array<i32>} : memref<4096xf32, #tpu.memory_space<vmem>>, vector<16xf32>,
    } {sc.loop_unroll_factor = 8 : i64, sc.parallel_access}
    %dma_start3A_68 = arith.constant 4096 : i32
    %dma_start3A_69 = tpu.memref_slice %arg5[%add3A_20, %dma_start3A_68] : memref<64x16384xf32, #tpu.memory_space<hbm>> -> memref<1x4096xf32, #tpu.memory_space<hbm>>
    %dma_start3A_70 = tpu.memref_squeeze %dma_start3A_69 : memref<1x4096xf32, #tpu.memory_space<hbm>> -> memref<4096xf32, #tpu.memory_space<hbm>>
    %dma_start3A_71 = arith.constant 4096 : i32
    %dma_start3A_72 = tpu.memref_slice %arg5[%add3A_20, %dma_start3A_71] : memref<64x16384xf32, #tpu.memory_space<hbm>> -> memref<1x4096xf32, #tpu.memory_space<hbm>>
    %dma_start3A_73 = tpu.memref_squeeze %dma_start3A_72 : memref<1x4096xf32, #tpu.memory_space<hbm>> -> memref<4096xf32, #tpu.memory_space<hbm>>
    tpu.enqueue_dma source(%arg10 : memref<4096xf32, #tpu.memory_space<vmem>>) target(%dma_start3A_73 : memref<4096xf32, #tpu.memory_space<hbm>>) target_semaphore(%arg15 : memref<!tpu.dma_semaphore, #tpu.memory_space<semaphore_mem>>)
    %dma_wait3A_74 = arith.constant 4096 : i32
    %dma_wait3A_75 = tpu.memref_slice %arg5[%add3A_20, %dma_wait3A_74] : memref<64x16384xf32, #tpu.memory_space<hbm>> -> memref<1x4096xf32, #tpu.memory_space<hbm>>
    %dma_wait3A_76 = tpu.memref_squeeze %dma_wait3A_75 : memref<1x4096xf32, #tpu.memory_space<hbm>> -> memref<4096xf32, #tpu.memory_space<hbm>>
    %dma_wait3A_77 = arith.constant 4096 : i32
    %dma_wait3A_78 = tpu.memref_slice %arg5[%add3A_20, %dma_wait3A_77] : memref<64x16384xf32, #tpu.memory_space<hbm>> -> memref<1x4096xf32, #tpu.memory_space<hbm>>
    %dma_wait3A_79 = tpu.memref_squeeze %dma_wait3A_78 : memref<1x4096xf32, #tpu.memory_space<hbm>> -> memref<4096xf32, #tpu.memory_space<hbm>>
    tpu.wait_dma2 semaphore(%arg15 : memref<!tpu.dma_semaphore, #tpu.memory_space<semaphore_mem>>) src(%arg10 : memref<4096xf32, #tpu.memory_space<vmem>>) dst(%dma_wait3A_79 : memref<4096xf32, #tpu.memory_space<hbm>>)
    %dma_start3A_80 = arith.constant 12288 : i32
    %dma_start3A_81 = tpu.memref_slice %arg4[%add3A_20, %dma_start3A_80] : memref<64x16384xf32, #tpu.memory_space<hbm>> -> memref<1x4096xf32, #tpu.memory_space<hbm>>
    %dma_start3A_82 = tpu.memref_squeeze %dma_start3A_81 : memref<1x4096xf32, #tpu.memory_space<hbm>> -> memref<4096xf32, #tpu.memory_space<hbm>>
    %dma_start3A_83 = arith.constant 12288 : i32
    %dma_start3A_84 = tpu.memref_slice %arg4[%add3A_20, %dma_start3A_83] : memref<64x16384xf32, #tpu.memory_space<hbm>> -> memref<1x4096xf32, #tpu.memory_space<hbm>>
    %dma_start3A_85 = tpu.memref_squeeze %dma_start3A_84 : memref<1x4096xf32, #tpu.memory_space<hbm>> -> memref<4096xf32, #tpu.memory_space<hbm>>
    tpu.enqueue_dma source(%dma_start3A_85 : memref<4096xf32, #tpu.memory_space<hbm>>) target(%arg10 : memref<4096xf32, #tpu.memory_space<vmem>>) target_semaphore(%arg13 : memref<!tpu.dma_semaphore, #tpu.memory_space<semaphore_mem>>)
    %dma_wait3A_86 = arith.constant 8192 : i32
    %dma_wait3A_87 = tpu.memref_slice %arg4[%add3A_20, %dma_wait3A_86] : memref<64x16384xf32, #tpu.memory_space<hbm>> -> memref<1x4096xf32, #tpu.memory_space<hbm>>
    %dma_wait3A_88 = tpu.memref_squeeze %dma_wait3A_87 : memref<1x4096xf32, #tpu.memory_space<hbm>> -> memref<4096xf32, #tpu.memory_space<hbm>>
    %dma_wait3A_89 = arith.constant 8192 : i32
    %dma_wait3A_90 = tpu.memref_slice %arg4[%add3A_20, %dma_wait3A_89] : memref<64x16384xf32, #tpu.memory_space<hbm>> -> memref<1x4096xf32, #tpu.memory_space<hbm>>
    %dma_wait3A_91 = tpu.memref_squeeze %dma_wait3A_90 : memref<1x4096xf32, #tpu.memory_space<hbm>> -> memref<4096xf32, #tpu.memory_space<hbm>>
    tpu.wait_dma2 semaphore(%arg13 : memref<!tpu.dma_semaphore, #tpu.memory_space<semaphore_mem>>) src(%dma_wait3A_91 : memref<4096xf32, #tpu.memory_space<hbm>>) dst(%arg9 : memref<4096xf32, #tpu.memory_space<vmem>>)
    %parallel_loop3A_92 = arith.constant 0 : i32
    %parallel_loop3A_93 = arith.constant 256 : i32
    %parallel_loop3A_94 = arith.constant 1 : i32
    scf.for %parallel_loop3A_250 = %parallel_loop3A_92 to %parallel_loop3A_93 step %parallel_loop3A_94  : i32 {
      %parallel_loop3A_251 = arith.constant 16 : i32
      %parallel_loop3A_252 = arith.muli %parallel_loop3A_250, %parallel_loop3A_251 : i32
      %parallel_loop3A_253 = arith.constant 16 : i32
      %parallel_loop3A_254 = arith.muli %parallel_loop3A_250, %parallel_loop3A_253 : i32
      %parallel_loop3A_255 = arith.constant 8192 : i32
      %parallel_loop3A_256 = arith.addi %parallel_loop3A_255, %parallel_loop3A_254 : i32
      %parallel_loop3A_257 = arith.index_cast %parallel_loop3A_256 : i32 to index
      %parallel_loop3A_258 = tpu.vector_load %arg7[%parallel_loop3A_257] {strides = array<i32>} : memref<16384xi32, #tpu.memory_space<vmem>>, vector<16xi32>,
      %parallel_loop3A_259 = tpu.vector_load_idx %arg6[%parallel_loop3A_258] : memref<100000xf32, #tpu.memory_space<vmem>>[vector<16xi32>], vector<16xf32>,
      %parallel_loop3A_260 = arith.index_cast %parallel_loop3A_252 : i32 to index
      %parallel_loop3A_261 = tpu.vector_load %arg9[%parallel_loop3A_260] {strides = array<i32>} : memref<4096xf32, #tpu.memory_space<vmem>>, vector<16xf32>,
      %parallel_loop3A_262 = arith.constant 0.000000e+00 : f32
      %parallel_loop3A_263 = vector.broadcast %parallel_loop3A_262 : f32 to vector<16xf32>
      %parallel_loop3A_264 = arith.subf %parallel_loop3A_263, %parallel_loop3A_259 : vector<16xf32>
      %parallel_loop3A_265 = math.exp %parallel_loop3A_264 : vector<16xf32>
      %parallel_loop3A_266 = arith.constant 1.000000e+00 : f32
      %parallel_loop3A_267 = vector.broadcast %parallel_loop3A_266 : f32 to vector<16xf32>
      %parallel_loop3A_268 = arith.addf %parallel_loop3A_267, %parallel_loop3A_265 : vector<16xf32>
      %parallel_loop3A_269 = arith.divf %parallel_loop3A_261, %parallel_loop3A_268 : vector<16xf32>
      %parallel_loop3A_270 = arith.index_cast %parallel_loop3A_252 : i32 to index
      %parallel_loop3A_271 = tpu.vector_load %arg9[%parallel_loop3A_270] {strides = array<i32>} : memref<4096xf32, #tpu.memory_space<vmem>>, vector<16xf32>,
      tpu.vector_store %arg9[%parallel_loop3A_270], %parallel_loop3A_269 {strides = array<i32>} : memref<4096xf32, #tpu.memory_space<vmem>>, vector<16xf32>,
    } {sc.loop_unroll_factor = 8 : i64, sc.parallel_access}
    %dma_start3A_95 = arith.constant 8192 : i32
    %dma_start3A_96 = tpu.memref_slice %arg5[%add3A_20, %dma_start3A_95] : memref<64x16384xf32, #tpu.memory_space<hbm>> -> memref<1x4096xf32, #tpu.memory_space<hbm>>
    %dma_start3A_97 = tpu.memref_squeeze %dma_start3A_96 : memref<1x4096xf32, #tpu.memory_space<hbm>> -> memref<4096xf32, #tpu.memory_space<hbm>>
    %dma_start3A_98 = arith.constant 8192 : i32
    %dma_start3A_99 = tpu.memref_slice %arg5[%add3A_20, %dma_start3A_98] : memref<64x16384xf32, #tpu.memory_space<hbm>> -> memref<1x4096xf32, #tpu.memory_space<hbm>>
    %dma_start3A_100 = tpu.memref_squeeze %dma_start3A_99 : memref<1x4096xf32, #tpu.memory_space<hbm>> -> memref<4096xf32, #tpu.memory_space<hbm>>
    tpu.enqueue_dma source(%arg9 : memref<4096xf32, #tpu.memory_space<vmem>>) target(%dma_start3A_100 : memref<4096xf32, #tpu.memory_space<hbm>>) target_semaphore(%arg14 : memref<!tpu.dma_semaphore, #tpu.memory_space<semaphore_mem>>)
    %dma_wait3A_101 = arith.constant 12288 : i32
    %dma_wait3A_102 = tpu.memref_slice %arg4[%add3A_20, %dma_wait3A_101] : memref<64x16384xf32, #tpu.memory_space<hbm>> -> memref<1x4096xf32, #tpu.memory_space<hbm>>
    %dma_wait3A_103 = tpu.memref_squeeze %dma_wait3A_102 : memref<1x4096xf32, #tpu.memory_space<hbm>> -> memref<4096xf32, #tpu.memory_space<hbm>>
    %dma_wait3A_104 = arith.constant 12288 : i32
    %dma_wait3A_105 = tpu.memref_slice %arg4[%add3A_20, %dma_wait3A_104] : memref<64x16384xf32, #tpu.memory_space<hbm>> -> memref<1x4096xf32, #tpu.memory_space<hbm>>
    %dma_wait3A_106 = tpu.memref_squeeze %dma_wait3A_105 : memref<1x4096xf32, #tpu.memory_space<hbm>> -> memref<4096xf32, #tpu.memory_space<hbm>>
    tpu.wait_dma2 semaphore(%arg13 : memref<!tpu.dma_semaphore, #tpu.memory_space<semaphore_mem>>) src(%dma_wait3A_106 : memref<4096xf32, #tpu.memory_space<hbm>>) dst(%arg10 : memref<4096xf32, #tpu.memory_space<vmem>>)
    %parallel_loop3A_107 = arith.constant 0 : i32
    %parallel_loop3A_108 = arith.constant 256 : i32
    %parallel_loop3A_109 = arith.constant 1 : i32
    scf.for %parallel_loop3A_250 = %parallel_loop3A_107 to %parallel_loop3A_108 step %parallel_loop3A_109  : i32 {
      %parallel_loop3A_251 = arith.constant 16 : i32
      %parallel_loop3A_252 = arith.muli %parallel_loop3A_250, %parallel_loop3A_251 : i32
      %parallel_loop3A_253 = arith.constant 16 : i32
      %parallel_loop3A_254 = arith.muli %parallel_loop3A_250, %parallel_loop3A_253 : i32
      %parallel_loop3A_255 = arith.constant 12288 : i32
      %parallel_loop3A_256 = arith.addi %parallel_loop3A_255, %parallel_loop3A_254 : i32
      %parallel_loop3A_257 = arith.index_cast %parallel_loop3A_256 : i32 to index
      %parallel_loop3A_258 = tpu.vector_load %arg7[%parallel_loop3A_257] {strides = array<i32>} : memref<16384xi32, #tpu.memory_space<vmem>>, vector<16xi32>,
      %parallel_loop3A_259 = tpu.vector_load_idx %arg6[%parallel_loop3A_258] : memref<100000xf32, #tpu.memory_space<vmem>>[vector<16xi32>], vector<16xf32>,
      %parallel_loop3A_260 = arith.index_cast %parallel_loop3A_252 : i32 to index
      %parallel_loop3A_261 = tpu.vector_load %arg10[%parallel_loop3A_260] {strides = array<i32>} : memref<4096xf32, #tpu.memory_space<vmem>>, vector<16xf32>,
      %parallel_loop3A_262 = arith.constant 0.000000e+00 : f32
      %parallel_loop3A_263 = vector.broadcast %parallel_loop3A_262 : f32 to vector<16xf32>
      %parallel_loop3A_264 = arith.subf %parallel_loop3A_263, %parallel_loop3A_259 : vector<16xf32>
      %parallel_loop3A_265 = math.exp %parallel_loop3A_264 : vector<16xf32>
      %parallel_loop3A_266 = arith.constant 1.000000e+00 : f32
      %parallel_loop3A_267 = vector.broadcast %parallel_loop3A_266 : f32 to vector<16xf32>
      %parallel_loop3A_268 = arith.addf %parallel_loop3A_267, %parallel_loop3A_265 : vector<16xf32>
      %parallel_loop3A_269 = arith.divf %parallel_loop3A_261, %parallel_loop3A_268 : vector<16xf32>
      %parallel_loop3A_270 = arith.index_cast %parallel_loop3A_252 : i32 to index
      %parallel_loop3A_271 = tpu.vector_load %arg10[%parallel_loop3A_270] {strides = array<i32>} : memref<4096xf32, #tpu.memory_space<vmem>>, vector<16xf32>,
      tpu.vector_store %arg10[%parallel_loop3A_270], %parallel_loop3A_269 {strides = array<i32>} : memref<4096xf32, #tpu.memory_space<vmem>>, vector<16xf32>,
    } {sc.loop_unroll_factor = 8 : i64, sc.parallel_access}
    %dma_start3A_110 = arith.constant 12288 : i32
    %dma_start3A_111 = tpu.memref_slice %arg5[%add3A_20, %dma_start3A_110] : memref<64x16384xf32, #tpu.memory_space<hbm>> -> memref<1x4096xf32, #tpu.memory_space<hbm>>
    %dma_start3A_112 = tpu.memref_squeeze %dma_start3A_111 : memref<1x4096xf32, #tpu.memory_space<hbm>> -> memref<4096xf32, #tpu.memory_space<hbm>>
    %dma_start3A_113 = arith.constant 12288 : i32
    %dma_start3A_114 = tpu.memref_slice %arg5[%add3A_20, %dma_start3A_113] : memref<64x16384xf32, #tpu.memory_space<hbm>> -> memref<1x4096xf32, #tpu.memory_space<hbm>>
    %dma_start3A_115 = tpu.memref_squeeze %dma_start3A_114 : memref<1x4096xf32, #tpu.memory_space<hbm>> -> memref<4096xf32, #tpu.memory_space<hbm>>
    tpu.enqueue_dma source(%arg10 : memref<4096xf32, #tpu.memory_space<vmem>>) target(%dma_start3A_115 : memref<4096xf32, #tpu.memory_space<hbm>>) target_semaphore(%arg15 : memref<!tpu.dma_semaphore, #tpu.memory_space<semaphore_mem>>)
    %dma_wait3A_116 = arith.constant 8192 : i32
    %dma_wait3A_117 = tpu.memref_slice %arg5[%add3A_20, %dma_wait3A_116] : memref<64x16384xf32, #tpu.memory_space<hbm>> -> memref<1x4096xf32, #tpu.memory_space<hbm>>
    %dma_wait3A_118 = tpu.memref_squeeze %dma_wait3A_117 : memref<1x4096xf32, #tpu.memory_space<hbm>> -> memref<4096xf32, #tpu.memory_space<hbm>>
    %dma_wait3A_119 = arith.constant 8192 : i32
    %dma_wait3A_120 = tpu.memref_slice %arg5[%add3A_20, %dma_wait3A_119] : memref<64x16384xf32, #tpu.memory_space<hbm>> -> memref<1x4096xf32, #tpu.memory_space<hbm>>
    %dma_wait3A_121 = tpu.memref_squeeze %dma_wait3A_120 : memref<1x4096xf32, #tpu.memory_space<hbm>> -> memref<4096xf32, #tpu.memory_space<hbm>>
    tpu.wait_dma2 semaphore(%arg14 : memref<!tpu.dma_semaphore, #tpu.memory_space<semaphore_mem>>) src(%arg9 : memref<4096xf32, #tpu.memory_space<vmem>>) dst(%dma_wait3A_121 : memref<4096xf32, #tpu.memory_space<hbm>>)
    %dma_wait3A_122 = arith.constant 12288 : i32
    %dma_wait3A_123 = tpu.memref_slice %arg5[%add3A_20, %dma_wait3A_122] : memref<64x16384xf32, #tpu.memory_space<hbm>> -> memref<1x4096xf32, #tpu.memory_space<hbm>>
    %dma_wait3A_124 = tpu.memref_squeeze %dma_wait3A_123 : memref<1x4096xf32, #tpu.memory_space<hbm>> -> memref<4096xf32, #tpu.memory_space<hbm>>
    %dma_wait3A_125 = arith.constant 12288 : i32
    %dma_wait3A_126 = tpu.memref_slice %arg5[%add3A_20, %dma_wait3A_125] : memref<64x16384xf32, #tpu.memory_space<hbm>> -> memref<1x4096xf32, #tpu.memory_space<hbm>>
    %dma_wait3A_127 = tpu.memref_squeeze %dma_wait3A_126 : memref<1x4096xf32, #tpu.memory_space<hbm>> -> memref<4096xf32, #tpu.memory_space<hbm>>
    tpu.wait_dma2 semaphore(%arg15 : memref<!tpu.dma_semaphore, #tpu.memory_space<semaphore_mem>>) src(%arg10 : memref<4096xf32, #tpu.memory_space<vmem>>) dst(%dma_wait3A_127 : memref<4096xf32, #tpu.memory_space<hbm>>)
    %add3A_128 = arith.constant 32 : i32
    %add3A_129 = arith.addi %add3A, %add3A_128 : i32
    %dma_start3A_130 = arith.constant 0 : i32
    %dma_start3A_131 = tpu.memref_slice %arg2[%add3A_129, %dma_start3A_130] : memref<64x100000xf32, #tpu.memory_space<hbm>> -> memref<1x100000xf32, #tpu.memory_space<hbm>>
    %dma_start3A_132 = tpu.memref_squeeze %dma_start3A_131 : memref<1x100000xf32, #tpu.memory_space<hbm>> -> memref<100000xf32, #tpu.memory_space<hbm>>
    %dma_start3A_133 = arith.constant 0 : i32
    %dma_start3A_134 = tpu.memref_slice %arg2[%add3A_129, %dma_start3A_133] : memref<64x100000xf32, #tpu.memory_space<hbm>> -> memref<1x100000xf32, #tpu.memory_space<hbm>>
    %dma_start3A_135 = tpu.memref_squeeze %dma_start3A_134 : memref<1x100000xf32, #tpu.memory_space<hbm>> -> memref<100000xf32, #tpu.memory_space<hbm>>
    tpu.enqueue_dma source(%dma_start3A_135 : memref<100000xf32, #tpu.memory_space<hbm>>) target(%arg6 : memref<100000xf32, #tpu.memory_space<vmem>>) target_semaphore(%arg11 : memref<!tpu.dma_semaphore, #tpu.memory_space<semaphore_mem>>)
    %dma_start3A_136 = arith.constant 0 : i32
    %dma_start3A_137 = tpu.memref_slice %arg4[%add3A_129, %dma_start3A_136] : memref<64x16384xf32, #tpu.memory_space<hbm>> -> memref<1x4096xf32, #tpu.memory_space<hbm>>
    %dma_start3A_138 = tpu.memref_squeeze %dma_start3A_137 : memref<1x4096xf32, #tpu.memory_space<hbm>> -> memref<4096xf32, #tpu.memory_space<hbm>>
    %dma_start3A_139 = arith.constant 0 : i32
    %dma_start3A_140 = tpu.memref_slice %arg4[%add3A_129, %dma_start3A_139] : memref<64x16384xf32, #tpu.memory_space<hbm>> -> memref<1x4096xf32, #tpu.memory_space<hbm>>
    %dma_start3A_141 = tpu.memref_squeeze %dma_start3A_140 : memref<1x4096xf32, #tpu.memory_space<hbm>> -> memref<4096xf32, #tpu.memory_space<hbm>>
    tpu.enqueue_dma source(%dma_start3A_141 : memref<4096xf32, #tpu.memory_space<hbm>>) target(%arg9 : memref<4096xf32, #tpu.memory_space<vmem>>) target_semaphore(%arg13 : memref<!tpu.dma_semaphore, #tpu.memory_space<semaphore_mem>>)
    %dma_wait3A_142 = arith.constant 0 : i32
    %dma_wait3A_143 = tpu.memref_slice %arg2[%add3A_129, %dma_wait3A_142] : memref<64x100000xf32, #tpu.memory_space<hbm>> -> memref<1x100000xf32, #tpu.memory_space<hbm>>
    %dma_wait3A_144 = tpu.memref_squeeze %dma_wait3A_143 : memref<1x100000xf32, #tpu.memory_space<hbm>> -> memref<100000xf32, #tpu.memory_space<hbm>>
    %dma_wait3A_145 = arith.constant 0 : i32
    %dma_wait3A_146 = tpu.memref_slice %arg2[%add3A_129, %dma_wait3A_145] : memref<64x100000xf32, #tpu.memory_space<hbm>> -> memref<1x100000xf32, #tpu.memory_space<hbm>>
    %dma_wait3A_147 = tpu.memref_squeeze %dma_wait3A_146 : memref<1x100000xf32, #tpu.memory_space<hbm>> -> memref<100000xf32, #tpu.memory_space<hbm>>
    tpu.wait_dma2 semaphore(%arg11 : memref<!tpu.dma_semaphore, #tpu.memory_space<semaphore_mem>>) src(%dma_wait3A_147 : memref<100000xf32, #tpu.memory_space<hbm>>) dst(%arg6 : memref<100000xf32, #tpu.memory_space<vmem>>)
    %dma_start3A_148 = arith.constant 4096 : i32
    %dma_start3A_149 = tpu.memref_slice %arg4[%add3A_129, %dma_start3A_148] : memref<64x16384xf32, #tpu.memory_space<hbm>> -> memref<1x4096xf32, #tpu.memory_space<hbm>>
    %dma_start3A_150 = tpu.memref_squeeze %dma_start3A_149 : memref<1x4096xf32, #tpu.memory_space<hbm>> -> memref<4096xf32, #tpu.memory_space<hbm>>
    %dma_start3A_151 = arith.constant 4096 : i32
    %dma_start3A_152 = tpu.memref_slice %arg4[%add3A_129, %dma_start3A_151] : memref<64x16384xf32, #tpu.memory_space<hbm>> -> memref<1x4096xf32, #tpu.memory_space<hbm>>
    %dma_start3A_153 = tpu.memref_squeeze %dma_start3A_152 : memref<1x4096xf32, #tpu.memory_space<hbm>> -> memref<4096xf32, #tpu.memory_space<hbm>>
    tpu.enqueue_dma source(%dma_start3A_153 : memref<4096xf32, #tpu.memory_space<hbm>>) target(%arg10 : memref<4096xf32, #tpu.memory_space<vmem>>) target_semaphore(%arg13 : memref<!tpu.dma_semaphore, #tpu.memory_space<semaphore_mem>>)
    %dma_wait3A_154 = arith.constant 0 : i32
    %dma_wait3A_155 = tpu.memref_slice %arg4[%add3A_129, %dma_wait3A_154] : memref<64x16384xf32, #tpu.memory_space<hbm>> -> memref<1x4096xf32, #tpu.memory_space<hbm>>
    %dma_wait3A_156 = tpu.memref_squeeze %dma_wait3A_155 : memref<1x4096xf32, #tpu.memory_space<hbm>> -> memref<4096xf32, #tpu.memory_space<hbm>>
    %dma_wait3A_157 = arith.constant 0 : i32
    %dma_wait3A_158 = tpu.memref_slice %arg4[%add3A_129, %dma_wait3A_157] : memref<64x16384xf32, #tpu.memory_space<hbm>> -> memref<1x4096xf32, #tpu.memory_space<hbm>>
    %dma_wait3A_159 = tpu.memref_squeeze %dma_wait3A_158 : memref<1x4096xf32, #tpu.memory_space<hbm>> -> memref<4096xf32, #tpu.memory_space<hbm>>
    tpu.wait_dma2 semaphore(%arg13 : memref<!tpu.dma_semaphore, #tpu.memory_space<semaphore_mem>>) src(%dma_wait3A_159 : memref<4096xf32, #tpu.memory_space<hbm>>) dst(%arg9 : memref<4096xf32, #tpu.memory_space<vmem>>)
    %parallel_loop3A_160 = arith.constant 0 : i32
    %parallel_loop3A_161 = arith.constant 256 : i32
    %parallel_loop3A_162 = arith.constant 1 : i32
    scf.for %parallel_loop3A_250 = %parallel_loop3A_160 to %parallel_loop3A_161 step %parallel_loop3A_162  : i32 {
      %parallel_loop3A_251 = arith.constant 16 : i32
      %parallel_loop3A_252 = arith.muli %parallel_loop3A_250, %parallel_loop3A_251 : i32
      %parallel_loop3A_253 = arith.constant 16 : i32
      %parallel_loop3A_254 = arith.muli %parallel_loop3A_250, %parallel_loop3A_253 : i32
      %parallel_loop3A_255 = arith.constant 0 : i32
      %parallel_loop3A_256 = arith.addi %parallel_loop3A_255, %parallel_loop3A_254 : i32
      %parallel_loop3A_257 = arith.index_cast %parallel_loop3A_256 : i32 to index
      %parallel_loop3A_258 = tpu.vector_load %arg7[%parallel_loop3A_257] {strides = array<i32>} : memref<16384xi32, #tpu.memory_space<vmem>>, vector<16xi32>,
      %parallel_loop3A_259 = tpu.vector_load_idx %arg6[%parallel_loop3A_258] : memref<100000xf32, #tpu.memory_space<vmem>>[vector<16xi32>], vector<16xf32>,
      %parallel_loop3A_260 = arith.index_cast %parallel_loop3A_252 : i32 to index
      %parallel_loop3A_261 = tpu.vector_load %arg9[%parallel_loop3A_260] {strides = array<i32>} : memref<4096xf32, #tpu.memory_space<vmem>>, vector<16xf32>,
      %parallel_loop3A_262 = arith.constant 0.000000e+00 : f32
      %parallel_loop3A_263 = vector.broadcast %parallel_loop3A_262 : f32 to vector<16xf32>
      %parallel_loop3A_264 = arith.subf %parallel_loop3A_263, %parallel_loop3A_259 : vector<16xf32>
      %parallel_loop3A_265 = math.exp %parallel_loop3A_264 : vector<16xf32>
      %parallel_loop3A_266 = arith.constant 1.000000e+00 : f32
      %parallel_loop3A_267 = vector.broadcast %parallel_loop3A_266 : f32 to vector<16xf32>
      %parallel_loop3A_268 = arith.addf %parallel_loop3A_267, %parallel_loop3A_265 : vector<16xf32>
      %parallel_loop3A_269 = arith.divf %parallel_loop3A_261, %parallel_loop3A_268 : vector<16xf32>
      %parallel_loop3A_270 = arith.index_cast %parallel_loop3A_252 : i32 to index
      %parallel_loop3A_271 = tpu.vector_load %arg9[%parallel_loop3A_270] {strides = array<i32>} : memref<4096xf32, #tpu.memory_space<vmem>>, vector<16xf32>,
      tpu.vector_store %arg9[%parallel_loop3A_270], %parallel_loop3A_269 {strides = array<i32>} : memref<4096xf32, #tpu.memory_space<vmem>>, vector<16xf32>,
    } {sc.loop_unroll_factor = 8 : i64, sc.parallel_access}
    %dma_start3A_163 = arith.constant 0 : i32
    %dma_start3A_164 = tpu.memref_slice %arg5[%add3A_129, %dma_start3A_163] : memref<64x16384xf32, #tpu.memory_space<hbm>> -> memref<1x4096xf32, #tpu.memory_space<hbm>>
    %dma_start3A_165 = tpu.memref_squeeze %dma_start3A_164 : memref<1x4096xf32, #tpu.memory_space<hbm>> -> memref<4096xf32, #tpu.memory_space<hbm>>
    %dma_start3A_166 = arith.constant 0 : i32
    %dma_start3A_167 = tpu.memref_slice %arg5[%add3A_129, %dma_start3A_166] : memref<64x16384xf32, #tpu.memory_space<hbm>> -> memref<1x4096xf32, #tpu.memory_space<hbm>>
    %dma_start3A_168 = tpu.memref_squeeze %dma_start3A_167 : memref<1x4096xf32, #tpu.memory_space<hbm>> -> memref<4096xf32, #tpu.memory_space<hbm>>
    tpu.enqueue_dma source(%arg9 : memref<4096xf32, #tpu.memory_space<vmem>>) target(%dma_start3A_168 : memref<4096xf32, #tpu.memory_space<hbm>>) target_semaphore(%arg14 : memref<!tpu.dma_semaphore, #tpu.memory_space<semaphore_mem>>)
    %dma_wait3A_169 = arith.constant 0 : i32
    %dma_wait3A_170 = tpu.memref_slice %arg5[%add3A_129, %dma_wait3A_169] : memref<64x16384xf32, #tpu.memory_space<hbm>> -> memref<1x4096xf32, #tpu.memory_space<hbm>>
    %dma_wait3A_171 = tpu.memref_squeeze %dma_wait3A_170 : memref<1x4096xf32, #tpu.memory_space<hbm>> -> memref<4096xf32, #tpu.memory_space<hbm>>
    %dma_wait3A_172 = arith.constant 0 : i32
    %dma_wait3A_173 = tpu.memref_slice %arg5[%add3A_129, %dma_wait3A_172] : memref<64x16384xf32, #tpu.memory_space<hbm>> -> memref<1x4096xf32, #tpu.memory_space<hbm>>
    %dma_wait3A_174 = tpu.memref_squeeze %dma_wait3A_173 : memref<1x4096xf32, #tpu.memory_space<hbm>> -> memref<4096xf32, #tpu.memory_space<hbm>>
    tpu.wait_dma2 semaphore(%arg14 : memref<!tpu.dma_semaphore, #tpu.memory_space<semaphore_mem>>) src(%arg9 : memref<4096xf32, #tpu.memory_space<vmem>>) dst(%dma_wait3A_174 : memref<4096xf32, #tpu.memory_space<hbm>>)
    %dma_start3A_175 = arith.constant 8192 : i32
    %dma_start3A_176 = tpu.memref_slice %arg4[%add3A_129, %dma_start3A_175] : memref<64x16384xf32, #tpu.memory_space<hbm>> -> memref<1x4096xf32, #tpu.memory_space<hbm>>
    %dma_start3A_177 = tpu.memref_squeeze %dma_start3A_176 : memref<1x4096xf32, #tpu.memory_space<hbm>> -> memref<4096xf32, #tpu.memory_space<hbm>>
    %dma_start3A_178 = arith.constant 8192 : i32
    %dma_start3A_179 = tpu.memref_slice %arg4[%add3A_129, %dma_start3A_178] : memref<64x16384xf32, #tpu.memory_space<hbm>> -> memref<1x4096xf32, #tpu.memory_space<hbm>>
    %dma_start3A_180 = tpu.memref_squeeze %dma_start3A_179 : memref<1x4096xf32, #tpu.memory_space<hbm>> -> memref<4096xf32, #tpu.memory_space<hbm>>
    tpu.enqueue_dma source(%dma_start3A_180 : memref<4096xf32, #tpu.memory_space<hbm>>) target(%arg9 : memref<4096xf32, #tpu.memory_space<vmem>>) target_semaphore(%arg13 : memref<!tpu.dma_semaphore, #tpu.memory_space<semaphore_mem>>)
    %dma_wait3A_181 = arith.constant 4096 : i32
    %dma_wait3A_182 = tpu.memref_slice %arg4[%add3A_129, %dma_wait3A_181] : memref<64x16384xf32, #tpu.memory_space<hbm>> -> memref<1x4096xf32, #tpu.memory_space<hbm>>
    %dma_wait3A_183 = tpu.memref_squeeze %dma_wait3A_182 : memref<1x4096xf32, #tpu.memory_space<hbm>> -> memref<4096xf32, #tpu.memory_space<hbm>>
    %dma_wait3A_184 = arith.constant 4096 : i32
    %dma_wait3A_185 = tpu.memref_slice %arg4[%add3A_129, %dma_wait3A_184] : memref<64x16384xf32, #tpu.memory_space<hbm>> -> memref<1x4096xf32, #tpu.memory_space<hbm>>
    %dma_wait3A_186 = tpu.memref_squeeze %dma_wait3A_185 : memref<1x4096xf32, #tpu.memory_space<hbm>> -> memref<4096xf32, #tpu.memory_space<hbm>>
    tpu.wait_dma2 semaphore(%arg13 : memref<!tpu.dma_semaphore, #tpu.memory_space<semaphore_mem>>) src(%dma_wait3A_186 : memref<4096xf32, #tpu.memory_space<hbm>>) dst(%arg10 : memref<4096xf32, #tpu.memory_space<vmem>>)
    %parallel_loop3A_187 = arith.constant 0 : i32
    %parallel_loop3A_188 = arith.constant 256 : i32
    %parallel_loop3A_189 = arith.constant 1 : i32
    scf.for %parallel_loop3A_250 = %parallel_loop3A_187 to %parallel_loop3A_188 step %parallel_loop3A_189  : i32 {
      %parallel_loop3A_251 = arith.constant 16 : i32
      %parallel_loop3A_252 = arith.muli %parallel_loop3A_250, %parallel_loop3A_251 : i32
      %parallel_loop3A_253 = arith.constant 16 : i32
      %parallel_loop3A_254 = arith.muli %parallel_loop3A_250, %parallel_loop3A_253 : i32
      %parallel_loop3A_255 = arith.constant 4096 : i32
      %parallel_loop3A_256 = arith.addi %parallel_loop3A_255, %parallel_loop3A_254 : i32
      %parallel_loop3A_257 = arith.index_cast %parallel_loop3A_256 : i32 to index
      %parallel_loop3A_258 = tpu.vector_load %arg7[%parallel_loop3A_257] {strides = array<i32>} : memref<16384xi32, #tpu.memory_space<vmem>>, vector<16xi32>,
      %parallel_loop3A_259 = tpu.vector_load_idx %arg6[%parallel_loop3A_258] : memref<100000xf32, #tpu.memory_space<vmem>>[vector<16xi32>], vector<16xf32>,
      %parallel_loop3A_260 = arith.index_cast %parallel_loop3A_252 : i32 to index
      %parallel_loop3A_261 = tpu.vector_load %arg10[%parallel_loop3A_260] {strides = array<i32>} : memref<4096xf32, #tpu.memory_space<vmem>>, vector<16xf32>,
      %parallel_loop3A_262 = arith.constant 0.000000e+00 : f32
      %parallel_loop3A_263 = vector.broadcast %parallel_loop3A_262 : f32 to vector<16xf32>
      %parallel_loop3A_264 = arith.subf %parallel_loop3A_263, %parallel_loop3A_259 : vector<16xf32>
      %parallel_loop3A_265 = math.exp %parallel_loop3A_264 : vector<16xf32>
      %parallel_loop3A_266 = arith.constant 1.000000e+00 : f32
      %parallel_loop3A_267 = vector.broadcast %parallel_loop3A_266 : f32 to vector<16xf32>
      %parallel_loop3A_268 = arith.addf %parallel_loop3A_267, %parallel_loop3A_265 : vector<16xf32>
      %parallel_loop3A_269 = arith.divf %parallel_loop3A_261, %parallel_loop3A_268 : vector<16xf32>
      %parallel_loop3A_270 = arith.index_cast %parallel_loop3A_252 : i32 to index
      %parallel_loop3A_271 = tpu.vector_load %arg10[%parallel_loop3A_270] {strides = array<i32>} : memref<4096xf32, #tpu.memory_space<vmem>>, vector<16xf32>,
      tpu.vector_store %arg10[%parallel_loop3A_270], %parallel_loop3A_269 {strides = array<i32>} : memref<4096xf32, #tpu.memory_space<vmem>>, vector<16xf32>,
    } {sc.loop_unroll_factor = 8 : i64, sc.parallel_access}
    %dma_start3A_190 = arith.constant 4096 : i32
    %dma_start3A_191 = tpu.memref_slice %arg5[%add3A_129, %dma_start3A_190] : memref<64x16384xf32, #tpu.memory_space<hbm>> -> memref<1x4096xf32, #tpu.memory_space<hbm>>
    %dma_start3A_192 = tpu.memref_squeeze %dma_start3A_191 : memref<1x4096xf32, #tpu.memory_space<hbm>> -> memref<4096xf32, #tpu.memory_space<hbm>>
    %dma_start3A_193 = arith.constant 4096 : i32
    %dma_start3A_194 = tpu.memref_slice %arg5[%add3A_129, %dma_start3A_193] : memref<64x16384xf32, #tpu.memory_space<hbm>> -> memref<1x4096xf32, #tpu.memory_space<hbm>>
    %dma_start3A_195 = tpu.memref_squeeze %dma_start3A_194 : memref<1x4096xf32, #tpu.memory_space<hbm>> -> memref<4096xf32, #tpu.memory_space<hbm>>
    tpu.enqueue_dma source(%arg10 : memref<4096xf32, #tpu.memory_space<vmem>>) target(%dma_start3A_195 : memref<4096xf32, #tpu.memory_space<hbm>>) target_semaphore(%arg15 : memref<!tpu.dma_semaphore, #tpu.memory_space<semaphore_mem>>)
    %dma_wait3A_196 = arith.constant 4096 : i32
    %dma_wait3A_197 = tpu.memref_slice %arg5[%add3A_129, %dma_wait3A_196] : memref<64x16384xf32, #tpu.memory_space<hbm>> -> memref<1x4096xf32, #tpu.memory_space<hbm>>
    %dma_wait3A_198 = tpu.memref_squeeze %dma_wait3A_197 : memref<1x4096xf32, #tpu.memory_space<hbm>> -> memref<4096xf32, #tpu.memory_space<hbm>>
    %dma_wait3A_199 = arith.constant 4096 : i32
    %dma_wait3A_200 = tpu.memref_slice %arg5[%add3A_129, %dma_wait3A_199] : memref<64x16384xf32, #tpu.memory_space<hbm>> -> memref<1x4096xf32, #tpu.memory_space<hbm>>
    %dma_wait3A_201 = tpu.memref_squeeze %dma_wait3A_200 : memref<1x4096xf32, #tpu.memory_space<hbm>> -> memref<4096xf32, #tpu.memory_space<hbm>>
    tpu.wait_dma2 semaphore(%arg15 : memref<!tpu.dma_semaphore, #tpu.memory_space<semaphore_mem>>) src(%arg10 : memref<4096xf32, #tpu.memory_space<vmem>>) dst(%dma_wait3A_201 : memref<4096xf32, #tpu.memory_space<hbm>>)
    %dma_start3A_202 = arith.constant 12288 : i32
    %dma_start3A_203 = tpu.memref_slice %arg4[%add3A_129, %dma_start3A_202] : memref<64x16384xf32, #tpu.memory_space<hbm>> -> memref<1x4096xf32, #tpu.memory_space<hbm>>
    %dma_start3A_204 = tpu.memref_squeeze %dma_start3A_203 : memref<1x4096xf32, #tpu.memory_space<hbm>> -> memref<4096xf32, #tpu.memory_space<hbm>>
    %dma_start3A_205 = arith.constant 12288 : i32
    %dma_start3A_206 = tpu.memref_slice %arg4[%add3A_129, %dma_start3A_205] : memref<64x16384xf32, #tpu.memory_space<hbm>> -> memref<1x4096xf32, #tpu.memory_space<hbm>>
    %dma_start3A_207 = tpu.memref_squeeze %dma_start3A_206 : memref<1x4096xf32, #tpu.memory_space<hbm>> -> memref<4096xf32, #tpu.memory_space<hbm>>
    tpu.enqueue_dma source(%dma_start3A_207 : memref<4096xf32, #tpu.memory_space<hbm>>) target(%arg10 : memref<4096xf32, #tpu.memory_space<vmem>>) target_semaphore(%arg13 : memref<!tpu.dma_semaphore, #tpu.memory_space<semaphore_mem>>)
    %dma_wait3A_208 = arith.constant 8192 : i32
    %dma_wait3A_209 = tpu.memref_slice %arg4[%add3A_129, %dma_wait3A_208] : memref<64x16384xf32, #tpu.memory_space<hbm>> -> memref<1x4096xf32, #tpu.memory_space<hbm>>
    %dma_wait3A_210 = tpu.memref_squeeze %dma_wait3A_209 : memref<1x4096xf32, #tpu.memory_space<hbm>> -> memref<4096xf32, #tpu.memory_space<hbm>>
    %dma_wait3A_211 = arith.constant 8192 : i32
    %dma_wait3A_212 = tpu.memref_slice %arg4[%add3A_129, %dma_wait3A_211] : memref<64x16384xf32, #tpu.memory_space<hbm>> -> memref<1x4096xf32, #tpu.memory_space<hbm>>
    %dma_wait3A_213 = tpu.memref_squeeze %dma_wait3A_212 : memref<1x4096xf32, #tpu.memory_space<hbm>> -> memref<4096xf32, #tpu.memory_space<hbm>>
    tpu.wait_dma2 semaphore(%arg13 : memref<!tpu.dma_semaphore, #tpu.memory_space<semaphore_mem>>) src(%dma_wait3A_213 : memref<4096xf32, #tpu.memory_space<hbm>>) dst(%arg9 : memref<4096xf32, #tpu.memory_space<vmem>>)
    %parallel_loop3A_214 = arith.constant 0 : i32
    %parallel_loop3A_215 = arith.constant 256 : i32
    %parallel_loop3A_216 = arith.constant 1 : i32
    scf.for %parallel_loop3A_250 = %parallel_loop3A_214 to %parallel_loop3A_215 step %parallel_loop3A_216  : i32 {
      %parallel_loop3A_251 = arith.constant 16 : i32
      %parallel_loop3A_252 = arith.muli %parallel_loop3A_250, %parallel_loop3A_251 : i32
      %parallel_loop3A_253 = arith.constant 16 : i32
      %parallel_loop3A_254 = arith.muli %parallel_loop3A_250, %parallel_loop3A_253 : i32
      %parallel_loop3A_255 = arith.constant 8192 : i32
      %parallel_loop3A_256 = arith.addi %parallel_loop3A_255, %parallel_loop3A_254 : i32
      %parallel_loop3A_257 = arith.index_cast %parallel_loop3A_256 : i32 to index
      %parallel_loop3A_258 = tpu.vector_load %arg7[%parallel_loop3A_257] {strides = array<i32>} : memref<16384xi32, #tpu.memory_space<vmem>>, vector<16xi32>,
      %parallel_loop3A_259 = tpu.vector_load_idx %arg6[%parallel_loop3A_258] : memref<100000xf32, #tpu.memory_space<vmem>>[vector<16xi32>], vector<16xf32>,
      %parallel_loop3A_260 = arith.index_cast %parallel_loop3A_252 : i32 to index
      %parallel_loop3A_261 = tpu.vector_load %arg9[%parallel_loop3A_260] {strides = array<i32>} : memref<4096xf32, #tpu.memory_space<vmem>>, vector<16xf32>,
      %parallel_loop3A_262 = arith.constant 0.000000e+00 : f32
      %parallel_loop3A_263 = vector.broadcast %parallel_loop3A_262 : f32 to vector<16xf32>
      %parallel_loop3A_264 = arith.subf %parallel_loop3A_263, %parallel_loop3A_259 : vector<16xf32>
      %parallel_loop3A_265 = math.exp %parallel_loop3A_264 : vector<16xf32>
      %parallel_loop3A_266 = arith.constant 1.000000e+00 : f32
      %parallel_loop3A_267 = vector.broadcast %parallel_loop3A_266 : f32 to vector<16xf32>
      %parallel_loop3A_268 = arith.addf %parallel_loop3A_267, %parallel_loop3A_265 : vector<16xf32>
      %parallel_loop3A_269 = arith.divf %parallel_loop3A_261, %parallel_loop3A_268 : vector<16xf32>
      %parallel_loop3A_270 = arith.index_cast %parallel_loop3A_252 : i32 to index
      %parallel_loop3A_271 = tpu.vector_load %arg9[%parallel_loop3A_270] {strides = array<i32>} : memref<4096xf32, #tpu.memory_space<vmem>>, vector<16xf32>,
      tpu.vector_store %arg9[%parallel_loop3A_270], %parallel_loop3A_269 {strides = array<i32>} : memref<4096xf32, #tpu.memory_space<vmem>>, vector<16xf32>,
    } {sc.loop_unroll_factor = 8 : i64, sc.parallel_access}
    %dma_start3A_217 = arith.constant 8192 : i32
    %dma_start3A_218 = tpu.memref_slice %arg5[%add3A_129, %dma_start3A_217] : memref<64x16384xf32, #tpu.memory_space<hbm>> -> memref<1x4096xf32, #tpu.memory_space<hbm>>
    %dma_start3A_219 = tpu.memref_squeeze %dma_start3A_218 : memref<1x4096xf32, #tpu.memory_space<hbm>> -> memref<4096xf32, #tpu.memory_space<hbm>>
    %dma_start3A_220 = arith.constant 8192 : i32
    %dma_start3A_221 = tpu.memref_slice %arg5[%add3A_129, %dma_start3A_220] : memref<64x16384xf32, #tpu.memory_space<hbm>> -> memref<1x4096xf32, #tpu.memory_space<hbm>>
    %dma_start3A_222 = tpu.memref_squeeze %dma_start3A_221 : memref<1x4096xf32, #tpu.memory_space<hbm>> -> memref<4096xf32, #tpu.memory_space<hbm>>
    tpu.enqueue_dma source(%arg9 : memref<4096xf32, #tpu.memory_space<vmem>>) target(%dma_start3A_222 : memref<4096xf32, #tpu.memory_space<hbm>>) target_semaphore(%arg14 : memref<!tpu.dma_semaphore, #tpu.memory_space<semaphore_mem>>)
    %dma_wait3A_223 = arith.constant 12288 : i32
    %dma_wait3A_224 = tpu.memref_slice %arg4[%add3A_129, %dma_wait3A_223] : memref<64x16384xf32, #tpu.memory_space<hbm>> -> memref<1x4096xf32, #tpu.memory_space<hbm>>
    %dma_wait3A_225 = tpu.memref_squeeze %dma_wait3A_224 : memref<1x4096xf32, #tpu.memory_space<hbm>> -> memref<4096xf32, #tpu.memory_space<hbm>>
    %dma_wait3A_226 = arith.constant 12288 : i32
    %dma_wait3A_227 = tpu.memref_slice %arg4[%add3A_129, %dma_wait3A_226] : memref<64x16384xf32, #tpu.memory_space<hbm>> -> memref<1x4096xf32, #tpu.memory_space<hbm>>
    %dma_wait3A_228 = tpu.memref_squeeze %dma_wait3A_227 : memref<1x4096xf32, #tpu.memory_space<hbm>> -> memref<4096xf32, #tpu.memory_space<hbm>>
    tpu.wait_dma2 semaphore(%arg13 : memref<!tpu.dma_semaphore, #tpu.memory_space<semaphore_mem>>) src(%dma_wait3A_228 : memref<4096xf32, #tpu.memory_space<hbm>>) dst(%arg10 : memref<4096xf32, #tpu.memory_space<vmem>>)
    %parallel_loop3A_229 = arith.constant 0 : i32
    %parallel_loop3A_230 = arith.constant 256 : i32
    %parallel_loop3A_231 = arith.constant 1 : i32
    scf.for %parallel_loop3A_250 = %parallel_loop3A_229 to %parallel_loop3A_230 step %parallel_loop3A_231  : i32 {
      %parallel_loop3A_251 = arith.constant 16 : i32
      %parallel_loop3A_252 = arith.muli %parallel_loop3A_250, %parallel_loop3A_251 : i32
      %parallel_loop3A_253 = arith.constant 16 : i32
      %parallel_loop3A_254 = arith.muli %parallel_loop3A_250, %parallel_loop3A_253 : i32
      %parallel_loop3A_255 = arith.constant 12288 : i32
      %parallel_loop3A_256 = arith.addi %parallel_loop3A_255, %parallel_loop3A_254 : i32
      %parallel_loop3A_257 = arith.index_cast %parallel_loop3A_256 : i32 to index
      %parallel_loop3A_258 = tpu.vector_load %arg7[%parallel_loop3A_257] {strides = array<i32>} : memref<16384xi32, #tpu.memory_space<vmem>>, vector<16xi32>,
      %parallel_loop3A_259 = tpu.vector_load_idx %arg6[%parallel_loop3A_258] : memref<100000xf32, #tpu.memory_space<vmem>>[vector<16xi32>], vector<16xf32>,
      %parallel_loop3A_260 = arith.index_cast %parallel_loop3A_252 : i32 to index
      %parallel_loop3A_261 = tpu.vector_load %arg10[%parallel_loop3A_260] {strides = array<i32>} : memref<4096xf32, #tpu.memory_space<vmem>>, vector<16xf32>,
      %parallel_loop3A_262 = arith.constant 0.000000e+00 : f32
      %parallel_loop3A_263 = vector.broadcast %parallel_loop3A_262 : f32 to vector<16xf32>
      %parallel_loop3A_264 = arith.subf %parallel_loop3A_263, %parallel_loop3A_259 : vector<16xf32>
      %parallel_loop3A_265 = math.exp %parallel_loop3A_264 : vector<16xf32>
      %parallel_loop3A_266 = arith.constant 1.000000e+00 : f32
      %parallel_loop3A_267 = vector.broadcast %parallel_loop3A_266 : f32 to vector<16xf32>
      %parallel_loop3A_268 = arith.addf %parallel_loop3A_267, %parallel_loop3A_265 : vector<16xf32>
      %parallel_loop3A_269 = arith.divf %parallel_loop3A_261, %parallel_loop3A_268 : vector<16xf32>
      %parallel_loop3A_270 = arith.index_cast %parallel_loop3A_252 : i32 to index
      %parallel_loop3A_271 = tpu.vector_load %arg10[%parallel_loop3A_270] {strides = array<i32>} : memref<4096xf32, #tpu.memory_space<vmem>>, vector<16xf32>,
      tpu.vector_store %arg10[%parallel_loop3A_270], %parallel_loop3A_269 {strides = array<i32>} : memref<4096xf32, #tpu.memory_space<vmem>>, vector<16xf32>,
    } {sc.loop_unroll_factor = 8 : i64, sc.parallel_access}
    %dma_start3A_232 = arith.constant 12288 : i32
    %dma_start3A_233 = tpu.memref_slice %arg5[%add3A_129, %dma_start3A_232] : memref<64x16384xf32, #tpu.memory_space<hbm>> -> memref<1x4096xf32, #tpu.memory_space<hbm>>
    %dma_start3A_234 = tpu.memref_squeeze %dma_start3A_233 : memref<1x4096xf32, #tpu.memory_space<hbm>> -> memref<4096xf32, #tpu.memory_space<hbm>>
    %dma_start3A_235 = arith.constant 12288 : i32
    %dma_start3A_236 = tpu.memref_slice %arg5[%add3A_129, %dma_start3A_235] : memref<64x16384xf32, #tpu.memory_space<hbm>> -> memref<1x4096xf32, #tpu.memory_space<hbm>>
    %dma_start3A_237 = tpu.memref_squeeze %dma_start3A_236 : memref<1x4096xf32, #tpu.memory_space<hbm>> -> memref<4096xf32, #tpu.memory_space<hbm>>
    tpu.enqueue_dma source(%arg10 : memref<4096xf32, #tpu.memory_space<vmem>>) target(%dma_start3A_237 : memref<4096xf32, #tpu.memory_space<hbm>>) target_semaphore(%arg15 : memref<!tpu.dma_semaphore, #tpu.memory_space<semaphore_mem>>)
    %dma_wait3A_238 = arith.constant 8192 : i32
    %dma_wait3A_239 = tpu.memref_slice %arg5[%add3A_129, %dma_wait3A_238] : memref<64x16384xf32, #tpu.memory_space<hbm>> -> memref<1x4096xf32, #tpu.memory_space<hbm>>
    %dma_wait3A_240 = tpu.memref_squeeze %dma_wait3A_239 : memref<1x4096xf32, #tpu.memory_space<hbm>> -> memref<4096xf32, #tpu.memory_space<hbm>>
    %dma_wait3A_241 = arith.constant 8192 : i32
    %dma_wait3A_242 = tpu.memref_slice %arg5[%add3A_129, %dma_wait3A_241] : memref<64x16384xf32, #tpu.memory_space<hbm>> -> memref<1x4096xf32, #tpu.memory_space<hbm>>
    %dma_wait3A_243 = tpu.memref_squeeze %dma_wait3A_242 : memref<1x4096xf32, #tpu.memory_space<hbm>> -> memref<4096xf32, #tpu.memory_space<hbm>>
    tpu.wait_dma2 semaphore(%arg14 : memref<!tpu.dma_semaphore, #tpu.memory_space<semaphore_mem>>) src(%arg9 : memref<4096xf32, #tpu.memory_space<vmem>>) dst(%dma_wait3A_243 : memref<4096xf32, #tpu.memory_space<hbm>>)
    %dma_wait3A_244 = arith.constant 12288 : i32
    %dma_wait3A_245 = tpu.memref_slice %arg5[%add3A_129, %dma_wait3A_244] : memref<64x16384xf32, #tpu.memory_space<hbm>> -> memref<1x4096xf32, #tpu.memory_space<hbm>>
    %dma_wait3A_246 = tpu.memref_squeeze %dma_wait3A_245 : memref<1x4096xf32, #tpu.memory_space<hbm>> -> memref<4096xf32, #tpu.memory_space<hbm>>
    %dma_wait3A_247 = arith.constant 12288 : i32
    %dma_wait3A_248 = tpu.memref_slice %arg5[%add3A_129, %dma_wait3A_247] : memref<64x16384xf32, #tpu.memory_space<hbm>> -> memref<1x4096xf32, #tpu.memory_space<hbm>>
    %dma_wait3A_249 = tpu.memref_squeeze %dma_wait3A_248 : memref<1x4096xf32, #tpu.memory_space<hbm>> -> memref<4096xf32, #tpu.memory_space<hbm>>
    tpu.wait_dma2 semaphore(%arg15 : memref<!tpu.dma_semaphore, #tpu.memory_space<semaphore_mem>>) src(%arg10 : memref<4096xf32, #tpu.memory_space<vmem>>) dst(%dma_wait3A_249 : memref<4096xf32, #tpu.memory_space<hbm>>)
    return
  }
}

</mosaic_0001>

<sc_bundles>
// kernel: kernel.3.cloned.1.call-start
scs
__scs_entry_jumppad:
0x0: {  	(pc) =	sbr.rel $0x88, $3  }
0x1: {  	(tag) =	ssettag $0x0;
	lr =	simm.s32 $0x1  }
0x2: {  	[smem:$0x3F9E] =	sst lr;
	_ =	strace $0xD0000000  }
0x3: {  	_ = 	snop  }
0x4: {  	_ = 	snop  }
0x5: {  	_ = 	snop  }
0x6: {  	_ = 	snop  }
0x7: {  	_ = 	snop  }
__scs_overlays_trampoline_lowered:
0x8: {  	[smem:$0x3FAD] =	sst s0  }
0x9: {  	[smem:$0x3FAE] =	sst s1  }
0xa: {  	[smem:$0x3FAF] =	sst s2  }
0xb: {  	[smem:$0x3FB0] =	sst s3  }
0xc: {  	[smem:$0x3FB1] =	sst s4  }
0xd: {  	[smem:$0x3FB2] =	sst s5  }
0xe: {  	[smem:$0x3FB3] =	sst s6  }
0xf: {  	[smem:$0x3FB4] =	sst s7  }
0x10: {  	[smem:$0x3FB5] =	sst s8  }
0x11: {  	[smem:$0x3FB6] =	sst s9;
	s0 =	simm.s32 @!p0 $0x0  }
0x12: {  	s1 =	sld [smem:$0x3F9C];
	s0 =	simm.s32 @p0 $0x1  }
0x13: {  	[smem:$0x3FB7] =	sst s0;
	s0 =	simm.s32 @!p1 $0x0  }
0x14: {  	s2 =	sld [smem:$0x3F9B];
	s0 =	simm.s32 @p1 $0x1  }
0x15: {  	[smem:$0x3FB8] =	sst s0;
	s0 =	simm.s32 @!p2 $0x0  }
0x16: {  	s3 =	sld [smem:$0x3FDB];
	s0 =	simm.s32 @p2 $0x1  }
0x17: {  	s4 =	simm.s32 $0x1BF5;
	[smem:$0x3FBA] =	sst s0  }
0x18: {  	s0 =	sld [smem:$0x3F9D];
	_ =	swait.ge [sflag:s4], $0x0  }
0x19: {  	s7 =	sld [smem:$0x3F9E]  }
0x1a: {  	s8 =	sadd.s32 $0xFFFFE003, lr  }
0x1b: {  	s9 =	sadd.s32 $0xFFFFFEF7, lr;
	s5 =	simm.s32 $0xFFFFFFFF;
	p2 =	slt.u32 s8, $0xFFFFF086  }
0x1c: {  	p1 =	slt.u32 s9, $0xF7A;
	s5 =	simm.s32 @!p2 $0x0  }
0x1d: {  	s5 =	simm.s32 @p1 $0x1;
	p0 =	seq.s32 s7, s2  }
0x1e: {  	s7 =	smul.u32 @!p0 $0xF7A, s2;
	p2 =	seq.s32 @!p0 s5, $0x0  }
0x1f: {  	s9 =	smul.u32 $0xF7A, s1;
	s8 =	simm.s32 @!p0 $0x1BF5;
	p2 =	por !p2, p0  }
0x20: {  	[sflag:s8] =	ssyncset.s32 @!p0 $0xFFFFF086;
	s6 =	sadd.s32 @!p0 s3, s7;
	s7 =	simm.s32 @!p0 $0x108  }
0x21: {  	s3 =	sadd.s32 s3, s9;
	s6 =	sadd.s32 @!p0 $0x88, s6;
	s7 =	simm.s32 @p2 $0x1082  }
0x22: {  	[simem:s7], [sflag:s8] =	dma.local @!p0 [hbm:s6], $0xF7A  }
0x23: {  	s9 =	sor.u32 $0xD0000000, s2;
	s6 =	simm.s32 $0x108;
	_ =	swait.ge @!p0 [sflag:s8], $0x0  }
0x24: {  	s3 =	sadd.s32 $0x88, s3;
	s6 =	simm.s32 @!p1 $0x1082;
	[sflag:s4] =	ssyncset.s32 $0xFFFFF086  }
0x25: {  	[simem:s6], [sflag:s4] =	dma.local [hbm:s3], $0xF7A  }
0x26: {  	[smem:$0x3F9E] =	sst s1;
	(tag) =	ssettag s2;
	_ =	strace s9  }
0x27: {  	s1 =	sld [smem:$0x3FAE]  }
0x28: {  	s2 =	sld [smem:$0x3FAF]  }
0x29: {  	s4 =	sld [smem:$0x3FB1]  }
0x2a: {  	p0 =	seq.s32 s5, $0x0;
	s5 =	sld [smem:$0x3FB2]  }
0x2b: {  	s6 =	sld [smem:$0x3FB3]  }
0x2c: {  	s7 =	sld [smem:$0x3FB4]  }
0x2d: {  	s3 =	simm.s32 $0x108;
	s8 =	sld [smem:$0x3FB5]  }
0x2e: {  	s3 =	simm.s32 @!p0 $0x1082;
	s9 =	sld [smem:$0x3FB6]  }
0x2f: {  	lr =	sadd.s32 s0, s3;
	s0 =	sld [smem:$0x3FAD]  }
0x30: {  	s3 =	sld [smem:$0x3FB0]  }
0x31: {  	[smem:$0x3FB9] =	sst s10  }
0x32: {  	s10 =	sld [smem:$0x3FB7];
	_ =	sdelay $0x3  }
0x33: {  	p0 =	seq.s32 s10, $0x1;
	s10 =	sld [smem:$0x3FB9];
	_ =	sdelay $0x3  }
0x34: {  	[smem:$0x3FB9] =	sst s10  }
0x35: {  	s10 =	sld [smem:$0x3FB8];
	_ =	sdelay $0x3  }
0x36: {  	p1 =	seq.s32 s10, $0x1;
	s10 =	sld [smem:$0x3FB9];
	_ =	sdelay $0x3  }
0x37: {  	[smem:$0x3FB9] =	sst s10  }
0x38: {  	s10 =	sld [smem:$0x3FBA]  }
0x39: {  	_ = 	snop;
	(pc) =	sbr.ind lr, $3  }
0x3a: {  	_ = 	snop  }
0x3b: {  	_ = 	snop  }
0x3c: {  	p2 =	seq.s32 s10, $0x1;
	s10 =	sld [smem:$0x3FB9]  }
0x3d: {  	_ =	shalt  }
0x3e: {  	_ =	shalt  }
0x3f: {  	_ =	shalt  }
0x40: {  	_ =	shalt  }
0x41: {  	_ =	shalt  }
0x42: {  	_ =	shalt  }
0x43: {  	_ =	shalt  }
0x44: {  	_ =	shalt  }
0x45: {  	_ =	shalt  }
0x46: {  	_ =	shalt  }
0x47: {  	_ =	shalt  }
0x48: {  	_ =	shalt  }
0x49: {  	_ =	shalt  }
0x4a: {  	_ =	shalt  }
0x4b: {  	_ =	shalt  }
0x4c: {  	_ =	shalt  }
0x4d: {  	_ =	shalt  }
0x4e: {  	_ =	shalt  }
0x4f: {  	_ =	shalt  }
0x50: {  	_ =	shalt  }
0x51: {  	_ =	shalt  }
0x52: {  	_ =	shalt  }
0x53: {  	_ =	shalt  }
0x54: {  	_ =	shalt  }
0x55: {  	_ =	shalt  }
0x56: {  	_ =	shalt  }
0x57: {  	_ =	shalt  }
0x58: {  	_ =	shalt  }
0x59: {  	_ =	shalt  }
0x5a: {  	_ =	shalt  }
0x5b: {  	_ =	shalt  }
0x5c: {  	_ =	shalt  }
0x5d: {  	_ =	shalt  }
0x5e: {  	_ =	shalt  }
0x5f: {  	_ =	shalt  }
0x60: {  	_ =	shalt  }
0x61: {  	_ =	shalt  }
0x62: {  	_ =	shalt  }
0x63: {  	_ =	shalt  }
0x64: {  	_ =	shalt  }
0x65: {  	_ =	shalt  }
0x66: {  	_ =	shalt  }
0x67: {  	_ =	shalt  }
0x68: {  	_ =	shalt  }
0x69: {  	_ =	shalt  }
0x6a: {  	_ =	shalt  }
0x6b: {  	_ =	shalt  }
0x6c: {  	_ =	shalt  }
0x6d: {  	_ =	shalt  }
0x6e: {  	_ =	shalt  }
0x6f: {  	_ =	shalt  }
0x70: {  	_ =	shalt  }
0x71: {  	_ =	shalt  }
0x72: {  	_ =	shalt  }
0x73: {  	_ =	shalt  }
0x74: {  	_ =	shalt  }
0x75: {  	_ =	shalt  }
0x76: {  	_ =	shalt  }
0x77: {  	_ =	shalt  }
0x78: {  	_ =	shalt  }
0x79: {  	_ =	shalt  }
0x7a: {  	_ =	shalt  }
0x7b: {  	_ =	shalt  }
0x7c: {  	_ =	shalt  }
0x7d: {  	_ =	shalt  }
0x7e: {  	_ =	shalt  }
0x7f: {  	_ =	shalt  }
0x80: {  	_ =	shalt  }
0x81: {  	_ =	shalt  }
0x82: {  	_ =	shalt  }
0x83: {  	_ =	shalt  }
0x84: {  	_ =	shalt  }
0x85: {  	_ =	shalt  }
0x86: {  	_ =	shalt  }
0x87: {  	_ =	shalt  }
.Lfunc_end0:
.L_simem_size_0:
called_computation_lowered:
.L_overlay_start_0:
0x88: {  	s2 =	sld [smem:$0x3FD9]  }
0x89: {  	s3 =	sld [smem:$0x3FFE];
	_ =	sdelay $0x1  }
0x8a: {  	s1 =	srdreg.scid  }
0x8b: {  	s0 =	sand.u32 $0x1, s1  }
0x8c: {  	s18 =	sshll.u32 s0, $0xA;
	s2 =	sadd.s32 s3, s2  }
0x8d: {  	s2 =	sadd.s32 s2, s18  }
0x8e: {  	[smem:$0x3FC5] =	sst s2  }
0x8f: {  	_ = 	snop  }
0x90: {  	s2 =	sld [smem:$0x3FC9]  }
0x91: {  	s19 =	sld [smem:$0x3FC8]  }
0x92: {  	s4 =	sld [smem:$0x3FC7]  }
0x93: {  	s5 =	sld [smem:$0x3FD0];
	(tm) =	ssettm $0x1  }
0x94: {  	s6 =	sld [smem:$0x3FFB];
	_ =	sdelay $0x3  }
0x95: {  	_ =	strace s6  }
0x96: {  	s6 =	sld [smem:$0x3FFC];
	_ =	sdelay $0x3  }
0x97: {  	_ =	strace s6  }
0x98: {  	s6 =	sld [smem:$0x3FFD];
	_ =	sdelay $0x3  }
0x99: {  	_ =	strace s6  }
0x9a: {  	_ =	strace $0x8FFFFFFF  }
0x9b: {  	s20 =	sld [smem:$0x3FDB];
	_ =	sdelay $0x1  }
0x9c: {  	s7 =	simm.s32 $_scs_section_size  }
0x9d: {  	s8 =	simm.s32 $_size__tile_overlayer_lowered;
	s9 =	simm.s32 $_tile_overlayer_lowered  }
0x9e: {  	s23 =	simm.s32 $0x1BFF;
	s22 =	sshll.u32 s9, $0x1;
	s6 =	sadd.s32 s7, s20  }
0x9f: {  	s10 =	simm.s32 $0x0;
	s21 =	sshll.u32 s8, $0x1;
	s8 =	sadd.s32 s22, s6  }
0xa0: {  	[timem:s10], [sflag:s23] =	dma.local [hbm:s8], s21  }
0xa1: {  	_ =	swait.ge [sflag:s23], s21  }
0xa2: {  	s7 =	ssub.s32 $0x0, s21;
	[sflag:s23] =	ssyncset.done $0x0  }
0xa3: {  	[sflag:s23] =	ssyncadd.s32 s7;
	_ =	sdelay $0x1  }
0xa4: {  	s24 =	simm.s32 $0x1B8B  }
0xa5: {  	_ =	swait.ge [sflag:s24], $0x1  }
0xa6: {  	[sflag:s24] =	ssyncset.done $0x0  }
0xa7: {  	s25 =	simm.s32 $0x1B8E;
	[sflag:s24] =	ssyncadd.s32 $0xFFFFFFFF  }
0xa8: {  	s26 =	simm.s32 $execute0_lowered;
	[smem:$0x3FD2] =	sst s25  }
0xa9: {  	s7 =	sshll.u32 s26, $0x1;
	_ =	strace $0x80000046;
	[dreg:$0x1] =	wrdreg $0xFFFFFFFF  }
0xaa: {  	s28 =	simm.s32 $_size_execute0_lowered;
	s6 =	sadd.s32 s6, s7;
	[dreg:$0x0] =	wrdreg $0x0  }
0xab: {  	s7 =	sshll.u32 s28, $0x1;
	[dreg:$0x2] =	wrdreg s6  }
0xac: {  	[dreg:$0x3] =	wrdreg s7  }
0xad: {  	[dreg:$0x4] =	wrdreg $0xC0  }
0xae: {  	_ =	task [dreg:s10], $0x5FFFF  }
0xaf: {  	[dreg:$0x1] =	wrdreg $0xFFFFFFFF  }
0xb0: {  	[dreg:$0x0] =	wrdreg $0x60  }
0xb1: {  	[dreg:$0x2] =	wrdreg s4  }
0xb2: {  	[dreg:$0x3] =	wrdreg s19  }
0xb3: {  	[dreg:$0x4] =	wrdreg s2  }
0xb4: {  	[dreg:$0x5] =	wrdreg s5  }
0xb5: {  	[dreg:$0x6] =	wrdreg $0x1C7000  }
0xb6: {  	[dreg:$0x7] =	wrdreg $0x9  }
0xb7: {  	_ =	task.clear_ibuf [dreg:s10], $0x8FFFF;
	_ =	strace $0x90000046  }
0xb8: {  	s29 =	simm.s32 $0x9;
	_ =	strace $0x80000048  }
0xb9: {  	_ =	swait.ge [sflag:s29], $0x1  }
0xba: {  	[sflag:s29] =	ssyncadd.s32 $0xFFFFFFFF  }
0xbb: {  	_ =	strace $0x90000048  }
0xbc: {  	_ =	sfence  }
0xbd: {  	s30 =	sld [smem:$0x0];
	_ =	sdelay $0x2  }
0xbe: {  	s31 =	sshll.u32 s1, $0xD;
	s1 =	sshrl.u32 s1, $0x2  }
0xbf: {  	s3 =	sand.u32 $0x4000, s31;
	s1 =	sadd.s32 s1, s30  }
0xc0: {  	s0 =	sor.u32 s3, s0;
	s1 =	sshll.u32 s1, $0x11  }
0xc1: {  	s0 =	sor.u32 s1, s0  }
0xc2: {  	s0 =	sadd.s32 $0x8F2B, s0  }
0xc3: {  	[sflag:s0] =	ssyncadd.remote.s32 $0x1  }
0xc4: {  	_ =	sfence.sel $0xFFFF  }
0xc5: {  	[dreg:$0x0] =	wrdreg $0xFFFFFFFF;
	(pc) =	sbr.abs _section_cstart, $3  }
0xc6: {  	[dreg:$0x1] =	wrdreg $0xFFFFFFFF  }
0xc7: {  	_ =	task.clear_ibuf [dreg:s10], $0x2FFFF;
	_ =	strace $0x9FFFFFFF  }
0xc8: {  	(tm) =	ssettm $0x7FFFFFFF  }
0xc9: {  	_ =	shalt  }
tec
execute0_lowered:
.L_overlay_start_1:
0x0: {  	(tag) =	ssettag $0x1  }
0x1: {  	s0 =	rddreg [dreg:$0x0]  }
0x2: {  	s1 =	rddreg [dreg:$0x1]  }
0x3: {  	s2 =	rddreg [dreg:$0x2]  }
0x4: {  	s4 =	rddreg [dreg:$0x3]  }
0x5: {  	s24 =	rddreg [dreg:$0x4];
	s3 =	simm.s32 $0x0;
	s5 =	srdreg.scid  }
0x6: {  	s25 =	stileid.u32;
	s28 =	simm.s32 $0x400;
	s29 =	simm.s32 $0x1CB00  }
0x7: {  	s30 =	simm.s32 $0x2;
	s31 =	simm.s32 $0x3;
	[smem:$0x7FF] =	sst s3  }
0x8: {  	s5 =	sand.u32 $0x1, s5;
	s6 =	sshll.u32 s25, $0x8;
	s7 =	sshrl.u32 s25, $0x2  }
0x9: {  	s23 =	sshll.u32 s25, $0xA;
	s14 =	sshll.u32 s25, $0x7;
	s25 =	sshll.u32 s25, $0x6  }
0xa: {  	s8 =	sshll.u32 s5, $0x7;
	s6 =	sand.u32 $0x300, s6;
	s9 =	smul.u32 $0xC3800, s7  }
0xb: {  	_ =	strace $0x80000047;
	s12 =	sshll.u32 s7, $0x11;
	s5 =	ssub.s32 $0x2, s5  }
0xc: {  	s1 =	sadd.s32 s1, s14;
	s7 =	sor.u32 $0x4, s7;
	s26 =	sadd.s32 s23, s24  }
0xd: {  	s23 =	sor.u32 $0x1C02, s25;
	s6 =	sor.u32 s8, s6;
	s10 =	sshrl.u32 s5, $0x1  }
0xe: {  	[dreg:$0x8] =	wrdreg s1;
	s25 =	sshrl.u32 s26, $0x3;
	s26 =	simm.s32 $0x80  }
0xf: {  	s9 =	sor.u32 s9, s6;
	s8 =	sor.u32 s12, s6;
	s5 =	ssub.s32 s5, s10  }
0x10: {  	s9 =	sshrl.u32 s9, $0x3;
	s8 =	sshrl.u32 s8, $0x3;
	s24 =	smax.u32 s5, $0x1  }
0x11: {  	s5 =	simm.s32 $0x0;
	s9 =	sadd.s32 s0, s9;
	s13 =	sadd.s32 s2, s8  }
0x12: {  	s15 =	sor.u32 $0x1000, s8;
	s17 =	sor.u32 $0x2000, s8;
	[dreg:$0x6] =	wrdreg s9  }
0x13: {  	s18 =	sadd.s32 s4, s8;
	s8 =	sor.u32 $0x3000, s8;
	[dreg:$0x7] =	wrdreg s13  }
0x14: {  	s16 =	sadd.s32 s2, s15;
	[dreg:$0xa] =	wrdreg s18;
	s9 =	sadd.s32 s2, s17  }
0x15: {  	s13 =	smul.u32 $0xC3800, s7;
	s7 =	sshll.u32 s7, $0x11;
	s10 =	sadd.s32 s4, s15  }
0x16: {  	s11 =	sadd.s32 s2, s8;
	s12 =	sadd.s32 s4, s17;
	s7 =	sor.u32 s6, s7  }
0x17: {  	[dreg:$0x9] =	wrdreg s16;
	s19 =	sor.u32 s6, s13;
	s20 =	sshrl.u32 s7, $0x3  }
0x18: {  	s13 =	sadd.s32 s4, s8;
	s1 =	sshrl.u32 s19, $0x3;
	s7 =	sor.u32 $0x1000, s20  }
0x19: {  	s15 =	sadd.s32 s2, s20;
	s17 =	sadd.s32 s4, s20;
	s21 =	sor.u32 $0x2000, s20  }
0x1a: {  	s22 =	sor.u32 $0x3000, s20;
	s14 =	sadd.s32 s0, s1;
	s16 =	sadd.s32 s2, s7  }
0x1b: {  	s18 =	sadd.s32 s2, s21;
	s19 =	sadd.s32 s4, s7;
	s20 =	sadd.s32 s2, s22  }
0x1c: {  	s21 =	sadd.s32 s4, s21;
	s22 =	sadd.s32 s4, s22;
	s0 =	simm.s32 $0x1  }
0x1d: {  	s2 =	simm.s32 $0x1DB00;
	s1 =	simm.s32 $0x4;
	s4 =	simm.s32 $0x5  }
.LBB2_1:
0x1e: {  	s6 =	rddreg [dreg:$0x6]  }
0x1f: {  	s8 =	rddreg [dreg:$0x7]  }
0x20: {  	[tilespmem:s3], [sflag:$0x1] =	stream.strided.gather [hbm4b:s6+s26], $0x18700, s28, s26, $0x38;
	[tilespmem:$0x1EB00] =	vst v63  }
0x21: {  	s7 =	rddreg [dreg:$0x8]  }
0x22: {  	[tilespmem:s29], [sflag:$0x3] =	stream.strided.gather [hbm4b:s8+s26], $0x1000, s28, s26, $0x38;
	[tilespmem:$0x1EB00] =	vst v63  }
0x23: {  	[spmem:s25], [sflag:s23] =	dma.local [hbm:s7], $0x80  }
0x24: {  	_ =	swait.ge [sflag:s30], $0x80  }
0x25: {  	[sflag:s30] =	ssyncset.done $0x0  }
0x26: {  	[sflag:s30] =	ssyncadd.s32 $0xFFFFFF80  }
0x27: {  	[bflag:$0x0] =	sbarrier.arrive $0xFFFF  }
0x28: {  	s7 =	simm.s32 $0x18700;
	s8 =	rddreg [dreg:$0x4]  }
0x29: {  	[tilespmem:s7], [sflag:$0x2] =	stream.linear.gather [spmem:s8], $0x4000, $0x38;
	[tilespmem:$0x1EB00] =	vst v63  }
0x2a: {  	_ =	swait.ge [sflag:s0], $0x18700  }
0x2b: {  	[sflag:s0] =	ssyncset.done $0x0  }
0x2c: {  	[sflag:s0] =	ssyncadd.s32 $0xFFFE7900  }
0x2d: {  	_ =	swait.ge [sflag:s30], $0x4000  }
0x2e: {  	[sflag:s30] =	ssyncset.done $0x0  }
0x2f: {  	s8 =	rddreg [dreg:$0x9];
	[sflag:s30] =	ssyncadd.s32 $0xFFFFC000  }
0x30: {  	[tilespmem:s2], [sflag:$0x3] =	stream.strided.gather [hbm4b:s8+s26], $0x1000, s28, s26, $0x38;
	[tilespmem:$0x1EB00] =	vst v63  }
0x31: {  	_ =	swait.ge [sflag:s31], $0x1000  }
0x32: {  	[sflag:s31] =	ssyncset.done $0x0  }
0x33: {  	s7 =	simm.s32 $0x18740;
	[sflag:s31] =	ssyncadd.s32 $0xFFFFF000  }
0x34: {  	v0 =	vld [tilespmem:s7+$0x30]  }
0x35: {  	v1 =	vld [tilespmem:s7+$0xFFFFFFD0]  }
0x36: {  	v2 =	vld [tilespmem:s7+$0xFFFFFFE0]  }
0x37: {  	v3 =	vld [tilespmem:s7+$0xFFFFFFF0]  }
0x38: {  	v4 =	vld [tilespmem:s7+$0x0]  }
0x39: {  	v5 =	vld [tilespmem:s7+$0x10]  }
0x3a: {  	v6 =	vld [tilespmem:s7+$0xFFFFFFC0]  }
0x3b: {  	v7 =	vld [tilespmem:s7+$0x20]  }
0x3c: {  	v0 =	vld.idx.msk [tilespmem:v0+s3+$0x0], $0xffff  }
0x3d: {  	v1 =	vld.idx.msk [tilespmem:v1+s3+$0x0], $0xffff  }
0x3e: {  	v2 =	vld.idx.msk [tilespmem:v2+s3+$0x0], $0xffff  }
0x3f: {  	v3 =	vld.idx.msk [tilespmem:v3+s3+$0x0], $0xffff  }
0x40: {  	v4 =	vld.idx.msk [tilespmem:v4+s3+$0x0], $0xffff  }
0x41: {  	v0 =	vsub.f32 $0.0e+00, v0  }
0x42: {  	v1 =	vsub.f32 $0.0e+00, v1  }
0x43: {  	v5 =	vld.idx.msk [tilespmem:v5+s3+$0x0], $0xffff;
	v2 =	vsub.f32 $0.0e+00, v2;
	v0 =	vmul.f32 $1.442695020e+00, v0  }
0x44: {  	v6 =	vld.idx.msk [tilespmem:v6+s3+$0x0], $0xffff;
	v3 =	vsub.f32 $0.0e+00, v3;
	v1 =	vmul.f32 $1.442695020e+00, v1  }
0x45: {  	v7 =	vld.idx.msk [tilespmem:v7+s3+$0x0], $0xffff;
	v2 =	vmul.f32 $1.442695020e+00, v2;
	(erf) = vpow2.f32 v0;
	v0 =	vsub.f32 $0.0e+00, v4  }
0x46: {  	s8 =	simm.s32 $0x187C0;
	(erf) = vpow2.f32 v1;
	v1 =	vmul.f32 $1.442695020e+00, v3  }
0x47: {  	v9 =	vld [tilespmem:s8+$0x20];
	(erf) = vpow2.f32 v2;
	v0 =	vmul.f32 $1.442695020e+00, v0  }
0x48: {  	v3 =	vsub.f32 $0.0e+00, v5;
	(erf) = vpow2.f32 v1  }
0x49: {  	v2 =	vsub.f32 $0.0e+00, v6;
	(erf) = vpow2.f32 v0  }
0x4a: {  	v4 =	vsub.f32 $0.0e+00, v7;
	v3 =	vmul.f32 $1.442695020e+00, v3  }
0x4b: {  	v1 =	vmul.f32 $1.442695020e+00, v2  }
0x4c: {  	v0 =	vld [tilespmem:s8+$0x30];
	v2 =	vmul.f32 $1.442695020e+00, v4;
	(erf) = vpow2.f32 v3  }
0x4d: {  	v3 =	vld [tilespmem:s8+$0xFFFFFFD0];
	(erf) = vpow2.f32 v1  }
0x4e: {  	v1 =	vld [tilespmem:s8+$0xFFFFFFE0];
	(erf) = vpow2.f32 v2;
	v4 =	vpop (erf)  }
0x4f: {  	v15 =	vld.idx.msk [tilespmem:v9+s3+$0x0], $0xffff;
	v4 =	vadd.f32 $1.000000000e+00, v4;
	v6 =	vpop (erf)  }
0x50: {  	v2 =	vld [tilespmem:s8+$0xFFFFFFF0];
	v6 =	vadd.f32 $1.000000000e+00, v6;
	v8 =	vpop (erf)  }
0x51: {  	v7 =	vld [tilespmem:s8+$0x10];
	v8 =	vadd.f32 $1.000000000e+00, v8;
	(erf) = vrcp.f32 v4;
	v10 =	vpop (erf)  }
0x52: {  	v5 =	vld [tilespmem:s8+$0x0];
	(erf) = vrcp.f32 v6;
	v6 =	vadd.f32 $1.000000000e+00, v10;
	v10 =	vpop (erf)  }
0x53: {  	v4 =	vld [tilespmem:s8+$0xFFFFFFC0];
	(erf) = vrcp.f32 v8;
	v8 =	vadd.f32 $1.000000000e+00, v10  }
0x54: {  	v0 =	vld.idx.msk [tilespmem:v0+s3+$0x0], $0xffff  }
0x55: {  	v3 =	vld.idx.msk [tilespmem:v3+s3+$0x0], $0xffff;
	v10 =	vpop (erf)  }
0x56: {  	s6 =	simm.s32 $0x1CB40;
	v1 =	vld.idx.msk [tilespmem:v1+s3+$0x0], $0xffff;
	v10 =	vadd.f32 $1.000000000e+00, v10;
	v11 =	vpop (erf);
	(erf) = vrcp.f32 v6  }
0x57: {  	v6 =	vadd.f32 $1.000000000e+00, v11;
	v11 =	vld [tilespmem:s6+$0x30];
	(erf) = vrcp.f32 v8;
	v8 =	vpop (erf)  }
0x58: {  	v12 =	vld.idx.msk [tilespmem:v2+s3+$0x0], $0xffff;
	(erf) = vrcp.f32 v10;
	v2 =	vadd.f32 $1.000000000e+00, v8  }
0x59: {  	v7 =	vld.idx.msk [tilespmem:v7+s3+$0x0], $0xffff;
	v0 =	vsub.f32 $0.0e+00, v0;
	(erf) = vrcp.f32 v6  }
0x5a: {  	v3 =	vsub.f32 $0.0e+00, v3;
	v8 =	vld.idx.msk [tilespmem:v5+s3+$0x0], $0xffff;
	(erf) = vrcp.f32 v2  }
0x5b: {  	v9 =	vmul.f32 $1.442695020e+00, v0;
	v10 =	vld.idx.msk [tilespmem:v4+s3+$0x0], $0xffff;
	v4 =	vpop (erf)  }
0x5c: {  	v6 =	vsub.f32 $0.0e+00, v1;
	v11 =	vmul.f32 v4, v11;
	v4 =	vmul.f32 $1.442695020e+00, v3  }
0x5d: {  	v5 =	vld [tilespmem:s6+$0xFFFFFFD0];
	v12 =	vsub.f32 $0.0e+00, v12;
	v1 =	vpop (erf)  }
0x5e: {  	v2 =	vld [tilespmem:s6+$0xFFFFFFC0];
	v13 =	vmul.f32 $1.442695020e+00, v6;
	(erf) = vpow2.f32 v9;
	v0 =	vpop (erf)  }
0x5f: {  	v6 =	vld [tilespmem:s6+$0xFFFFFFE0];
	v12 =	vmul.f32 $1.442695020e+00, v12;
	v9 =	vsub.f32 $0.0e+00, v8;
	v3 =	vpop (erf);
	(erf) = vpow2.f32 v4  }
0x60: {  	v14 =	vsub.f32 $0.0e+00, v7;
	v8 =	vld [tilespmem:s6+$0xFFFFFFF0];
	(erf) = vpow2.f32 v13;
	v4 =	vpop (erf)  }
0x61: {  	[tilespmem:s6+$0x30] =	vst v11;
	v11 =	vld [tilespmem:s6+$0x20];
	v16 =	vsub.f32 $0.0e+00, v10;
	v17 =	vmul.f32 $1.442695020e+00, v9;
	v7 =	vpop (erf)  }
0x62: {  	v15 =	vsub.f32 $0.0e+00, v15;
	v14 =	vmul.f32 $1.442695020e+00, v14;
	v10 =	vld [tilespmem:s6+$0x10];
	(erf) = vpow2.f32 v12;
	v13 =	vpop (erf)  }
0x63: {  	s7 =	simm.s32 $0x8;
	s8 =	simm.s32 $0x18840;
	v9 =	vld [tilespmem:s6+$0x0];
	v16 =	vmul.f32 $1.442695020e+00, v16;
	(erf) = vpow2.f32 v17;
	v12 =	vpop (erf)  }
.LBB2_2:
0x64: {  	v17 =	vld [tilespmem:s8+$0x30];
	s7 =	sadd.s32 $0x8, s7;
	v18 =	vmul.f32 $1.442695020e+00, v15;
	(erf) = vpow2.f32 v14  }
0x65: {  	v2 =	vmul.f32 v13, v2;
	v14 =	vld [tilespmem:s8+$0xFFFFFFD0];
	p0 =	slt.u32 s7, $0xF8;
	(erf) = vpow2.f32 v16  }
0x66: {  	v1 =	vmul.f32 v1, v5;
	v13 =	vld [tilespmem:s8+$0xFFFFFFE0];
	(erf) = vpow2.f32 v18  }
0x67: {  	v0 =	vmul.f32 v0, v6;
	v5 =	vld [tilespmem:s8+$0xFFFFFFF0];
	v15 =	vpop (erf);
	[tilespmem:s6+$0xFFFFFFC0] =	vst v2;
	v2 =	vmul.f32 v3, v8  }
0x68: {  	v3 =	vld [tilespmem:s8+$0x0];
	v15 =	vadd.f32 $1.000000000e+00, v15;
	v8 =	vpop (erf);
	[tilespmem:s6+$0xFFFFFFD0] =	vst v1;
	v1 =	vmul.f32 v4, v9;
	v4 =	vmul.f32 v7, v10  }
0x69: {  	v7 =	vld [tilespmem:s8+$0x10];
	v16 =	vadd.f32 $1.000000000e+00, v8;
	v9 =	vpop (erf);
	[tilespmem:s6+$0xFFFFFFE0] =	vst v0;
	v0 =	vmul.f32 v12, v11  }
0x6a: {  	v10 =	vld [tilespmem:s8+$0x20];
	v11 =	vadd.f32 $1.000000000e+00, v9;
	(erf) = vrcp.f32 v15;
	[tilespmem:s6+$0xFFFFFFF0] =	vst v2  }
0x6b: {  	v2 =	vld [tilespmem:s8+$0xFFFFFFC0];
	(erf) = vrcp.f32 v16;
	v6 =	vpop (erf);
	[tilespmem:s6+$0x0] =	vst v1  }
0x6c: {  	v1 =	vld.idx.msk [tilespmem:v17+s3+$0x0], $0xffff;
	v6 =	vadd.f32 $1.000000000e+00, v6;
	(erf) = vrcp.f32 v11;
	v8 =	vpop (erf);
	[tilespmem:s6+$0x10] =	vst v4  }
0x6d: {  	v4 =	vld.idx.msk [tilespmem:v14+s3+$0x0], $0xffff;
	v12 =	vadd.f32 $1.000000000e+00, v8;
	v9 =	vpop (erf);
	[tilespmem:s6+$0x20] =	vst v0  }
0x6e: {  	s6 =	sadd.s32 $0x80, s6;
	v0 =	vld.idx.msk [tilespmem:v13+s3+$0x0], $0xffff;
	v9 =	vadd.f32 $1.000000000e+00, v9;
	v11 =	vpop (erf);
	(erf) = vrcp.f32 v6  }
0x6f: {  	v6 =	vadd.f32 $1.000000000e+00, v11;
	v11 =	vld [tilespmem:s6+$0x30];
	(erf) = vrcp.f32 v12;
	v8 =	vpop (erf)  }
0x70: {  	v5 =	vld.idx.msk [tilespmem:v5+s3+$0x0], $0xffff;
	v8 =	vadd.f32 $1.000000000e+00, v8;
	(erf) = vrcp.f32 v9  }
0x71: {  	v3 =	vld.idx.msk [tilespmem:v3+s3+$0x0], $0xffff;
	(erf) = vrcp.f32 v6  }
0x72: {  	v12 =	vsub.f32 $0.0e+00, v1;
	v7 =	vld.idx.msk [tilespmem:v7+s3+$0x0], $0xffff;
	(erf) = vrcp.f32 v8  }
0x73: {  	v9 =	vld.idx.msk [tilespmem:v2+s3+$0x0], $0xffff;
	v2 =	vsub.f32 $0.0e+00, v4;
	v4 =	vpop (erf)  }
0x74: {  	v6 =	vsub.f32 $0.0e+00, v0;
	v8 =	vmul.f32 $1.442695020e+00, v12;
	v10 =	vld.idx.msk [tilespmem:v10+s3+$0x0], $0xffff;
	v4 =	vmul.f32 v4, v11;
	v1 =	vpop (erf)  }
0x75: {  	v11 =	vmul.f32 $1.442695020e+00, v2;
	v2 =	vld [tilespmem:s6+$0xFFFFFFC0];
	v0 =	vpop (erf)  }
0x76: {  	v12 =	vmul.f32 $1.442695020e+00, v6;
	v13 =	vsub.f32 $0.0e+00, v5;
	(erf) = vpow2.f32 v8;
	v5 =	vld [tilespmem:s6+$0xFFFFFFD0];
	[tilespmem:s6+$0x30] =	vst v4  }
.Ltmp0:
0x77: {  	v14 =	vsub.f32 $0.0e+00, v3;
	(erf) = vpow2.f32 v11;
	v6 =	vld [tilespmem:s6+$0xFFFFFFE0];
	v3 =	vpop (erf);
	(pc) =	sbr.rel @p0 .LBB2_2-.Ltmp0, $4  }
0x78: {  	v11 =	vmul.f32 $1.442695020e+00, v13;
	v16 =	vsub.f32 $0.0e+00, v7;
	(erf) = vpow2.f32 v12;
	v8 =	vld [tilespmem:s6+$0xFFFFFFF0];
	v4 =	vpop (erf)  }
0x79: {  	v18 =	vsub.f32 $0.0e+00, v9;
	v17 =	vmul.f32 $1.442695020e+00, v14;
	v9 =	vld [tilespmem:s6+$0x0];
	v7 =	vpop (erf)  }
0x7a: {  	v14 =	vmul.f32 $1.442695020e+00, v16;
	v15 =	vsub.f32 $0.0e+00, v10;
	(erf) = vpow2.f32 v11;
	v10 =	vld [tilespmem:s6+$0x10];
	v13 =	vpop (erf)  }
0x7b: {  	s8 =	sadd.s32 $0x80, s8;
	v16 =	vmul.f32 $1.442695020e+00, v18;
	(erf) = vpow2.f32 v17;
	v11 =	vld [tilespmem:s6+$0x20];
	v12 =	vpop (erf)  }
0x7c: {  	_ =	sdelay $0x2  }
0x7d: {  	(erf) = vpow2.f32 v14;
	v14 =	vmul.f32 $1.442695020e+00, v15;
	v15 =	vpop (erf)  }
0x7e: {  	(erf) = vpow2.f32 v16;
	v15 =	vadd.f32 $1.000000000e+00, v15;
	_ =	sdelay $0x1  }
0x7f: {  	v16 =	vpop (erf)  }
0x80: {  	(erf) = vpow2.f32 v14;
	v14 =	vadd.f32 $1.000000000e+00, v16;
	v16 =	vpop (erf)  }
0x81: {  	v16 =	vadd.f32 $1.000000000e+00, v16;
	(erf) = vrcp.f32 v15;
	v15 =	vpop (erf)  }
0x82: {  	(erf) = vrcp.f32 v14;
	v14 =	vadd.f32 $1.000000000e+00, v15;
	_ =	sdelay $0x1  }
0x83: {  	v15 =	vpop (erf)  }
0x84: {  	(erf) = vrcp.f32 v16;
	v15 =	vadd.f32 $1.000000000e+00, v15;
	v16 =	vpop (erf)  }
0x85: {  	v16 =	vadd.f32 $1.000000000e+00, v16;
	(erf) = vrcp.f32 v14;
	v14 =	vpop (erf)  }
0x86: {  	(erf) = vrcp.f32 v15;
	v14 =	vadd.f32 $1.000000000e+00, v14  }
0x87: {  	(erf) = vrcp.f32 v16  }
0x88: {  	(erf) = vrcp.f32 v14  }
0x89: {  	v2 =	vmul.f32 v13, v2;
	v13 =	vpop (erf)  }
0x8a: {  	s7 =	sadd.s32 $0x80, s6;
	v0 =	vmul.f32 v0, v6;
	v6 =	vadd.f32 $1.000000000e+00, v13  }
0x8b: {  	v1 =	vmul.f32 v1, v5;
	[tilespmem:s6+$0xFFFFFFC0] =	vst v2;
	v2 =	vld [tilespmem:s7+$0x30];
	v5 =	vpop (erf)  }
0x8c: {  	v13 =	vpop (erf)  }
0x8d: {  	v3 =	vmul.f32 v3, v8;
	[tilespmem:s6+$0xFFFFFFD0] =	vst v1;
	v1 =	vld [tilespmem:s7+$0xFFFFFFC0];
	v7 =	vmul.f32 v7, v10;
	v8 =	vpop (erf)  }
0x8e: {  	v4 =	vmul.f32 v4, v9;
	[tilespmem:s6+$0xFFFFFFE0] =	vst v0;
	v0 =	vld [tilespmem:s7+$0xFFFFFFD0];
	(erf) = vrcp.f32 v6;
	v6 =	vpop (erf)  }
0x8f: {  	[tilespmem:s6+$0xFFFFFFF0] =	vst v3;
	v3 =	vld [tilespmem:s7+$0xFFFFFFE0];
	v9 =	vpop (erf)  }
0x90: {  	v10 =	vmul.f32 v12, v11;
	[tilespmem:s6+$0x0] =	vst v4;
	v2 =	vmul.f32 v5, v2;
	v5 =	vld [tilespmem:s7+$0x0];
	v11 =	vpop (erf)  }
0x91: {  	[tilespmem:s6+$0x10] =	vst v7;
	v7 =	vpop (erf)  }
0x92: {  	v4 =	vld [tilespmem:s7+$0xFFFFFFF0];
	[tilespmem:s6+$0x20] =	vst v10;
	v1 =	vmul.f32 v7, v1  }
0x93: {  	v10 =	vld [tilespmem:s7+$0x10];
	v0 =	vmul.f32 v13, v0;
	[tilespmem:s7+$0x30] =	vst v2  }
0x94: {  	v2 =	vld [tilespmem:s7+$0x20];
	[tilespmem:s7+$0xFFFFFFC0] =	vst v1;
	v1 =	vmul.f32 v8, v3  }
0x95: {  	[tilespmem:s7+$0xFFFFFFD0] =	vst v0;
	v0 =	vmul.f32 v9, v5;
	_ =	sdelay $0x1  }
0x96: {  	[tilespmem:s7+$0x0] =	vst v0;
	v3 =	vmul.f32 v6, v4  }
0x97: {  	v4 =	vmul.f32 v11, v10;
	[tilespmem:s7+$0xFFFFFFE0] =	vst v1;
	v1 =	vpop (erf)  }
0x98: {  	[tilespmem:s7+$0xFFFFFFF0] =	vst v3;
	v1 =	vmul.f32 v1, v2  }
0x99: {  	[tilespmem:s7+$0x10] =	vst v4  }
0x9a: {  	[tilespmem:s7+$0x20] =	vst v1  }
0x9b: {  	s6 =	rddreg [dreg:$0xa]  }
0x9c: {  	[hbm4b:s6+s26] =	stream.strided.scatter [tilespmem:s29], [sflag:$0x4], $0x1000, s28, s26, $0x38;
	[tilespmem:$0x1EB00] =	vst v63  }
0x9d: {  	_ =	swait.ge [sflag:s1], $0x1000  }
0x9e: {  	[sflag:s1] =	ssyncset.done $0x0  }
0x9f: {  	[sflag:s1] =	ssyncadd.s32 $0xFFFFF000  }
0xa0: {  	[tilespmem:s29], [sflag:$0x3] =	stream.strided.gather [hbm4b:s9+s26], $0x1000, s28, s26, $0x38;
	[tilespmem:$0x1EB00] =	vst v63  }
0xa1: {  	_ =	swait.ge [sflag:s31], $0x1000  }
0xa2: {  	[sflag:s31] =	ssyncset.done $0x0  }
0xa3: {  	s7 =	simm.s32 $0x19770;
	[sflag:s31] =	ssyncadd.s32 $0xFFFFF000  }
0xa4: {  	v0 =	vld [tilespmem:s7+$0x0]  }
0xa5: {  	v1 =	vld [tilespmem:s7+$0xFFFFFFA0]  }
0xa6: {  	v2 =	vld [tilespmem:s7+$0xFFFFFFB0]  }
0xa7: {  	v3 =	vld [tilespmem:s7+$0xFFFFFFC0]  }
0xa8: {  	v4 =	vld [tilespmem:s7+$0xFFFFFFD0]  }
0xa9: {  	v5 =	vld [tilespmem:s7+$0xFFFFFFE0]  }
0xaa: {  	v6 =	vld [tilespmem:s7+$0xFFFFFF90]  }
0xab: {  	v7 =	vld [tilespmem:s7+$0xFFFFFFF0]  }
0xac: {  	v0 =	vld.idx.msk [tilespmem:v0+s3+$0x0], $0xffff  }
0xad: {  	v1 =	vld.idx.msk [tilespmem:v1+s3+$0x0], $0xffff  }
0xae: {  	v2 =	vld.idx.msk [tilespmem:v2+s3+$0x0], $0xffff  }
0xaf: {  	v3 =	vld.idx.msk [tilespmem:v3+s3+$0x0], $0xffff  }
0xb0: {  	v4 =	vld.idx.msk [tilespmem:v4+s3+$0x0], $0xffff  }
0xb1: {  	v0 =	vsub.f32 $0.0e+00, v0  }
0xb2: {  	v1 =	vsub.f32 $0.0e+00, v1  }
0xb3: {  	v5 =	vld.idx.msk [tilespmem:v5+s3+$0x0], $0xffff;
	v2 =	vsub.f32 $0.0e+00, v2;
	v0 =	vmul.f32 $1.442695020e+00, v0  }
0xb4: {  	v6 =	vld.idx.msk [tilespmem:v6+s3+$0x0], $0xffff;
	v3 =	vsub.f32 $0.0e+00, v3;
	v1 =	vmul.f32 $1.442695020e+00, v1  }
0xb5: {  	v7 =	vld.idx.msk [tilespmem:v7+s3+$0x0], $0xffff;
	v2 =	vmul.f32 $1.442695020e+00, v2;
	(erf) = vpow2.f32 v0;
	v0 =	vsub.f32 $0.0e+00, v4  }
0xb6: {  	s8 =	simm.s32 $0x197F0;
	(erf) = vpow2.f32 v1;
	v1 =	vmul.f32 $1.442695020e+00, v3  }
0xb7: {  	v9 =	vld [tilespmem:s8+$0xFFFFFFF0];
	(erf) = vpow2.f32 v2;
	v0 =	vmul.f32 $1.442695020e+00, v0  }
0xb8: {  	v3 =	vsub.f32 $0.0e+00, v5;
	(erf) = vpow2.f32 v1  }
0xb9: {  	v2 =	vsub.f32 $0.0e+00, v6;
	(erf) = vpow2.f32 v0  }
0xba: {  	v4 =	vsub.f32 $0.0e+00, v7;
	v3 =	vmul.f32 $1.442695020e+00, v3  }
0xbb: {  	v1 =	vmul.f32 $1.442695020e+00, v2  }
0xbc: {  	v0 =	vld [tilespmem:s8+$0x0];
	v2 =	vmul.f32 $1.442695020e+00, v4;
	(erf) = vpow2.f32 v3  }
0xbd: {  	v3 =	vld [tilespmem:s8+$0xFFFFFFA0];
	(erf) = vpow2.f32 v1  }
0xbe: {  	v1 =	vld [tilespmem:s8+$0xFFFFFFB0];
	(erf) = vpow2.f32 v2;
	v4 =	vpop (erf)  }
0xbf: {  	v15 =	vld.idx.msk [tilespmem:v9+s3+$0x0], $0xffff;
	v4 =	vadd.f32 $1.000000000e+00, v4;
	v6 =	vpop (erf)  }
0xc0: {  	v2 =	vld [tilespmem:s8+$0xFFFFFFC0];
	v6 =	vadd.f32 $1.000000000e+00, v6;
	v8 =	vpop (erf)  }
0xc1: {  	v7 =	vld [tilespmem:s8+$0xFFFFFFE0];
	v8 =	vadd.f32 $1.000000000e+00, v8;
	(erf) = vrcp.f32 v4;
	v10 =	vpop (erf)  }
0xc2: {  	v5 =	vld [tilespmem:s8+$0xFFFFFFD0];
	(erf) = vrcp.f32 v6;
	v6 =	vadd.f32 $1.000000000e+00, v10;
	v10 =	vpop (erf)  }
0xc3: {  	v4 =	vld [tilespmem:s8+$0xFFFFFF90];
	(erf) = vrcp.f32 v8;
	v8 =	vadd.f32 $1.000000000e+00, v10  }
0xc4: {  	v0 =	vld.idx.msk [tilespmem:v0+s3+$0x0], $0xffff  }
0xc5: {  	v3 =	vld.idx.msk [tilespmem:v3+s3+$0x0], $0xffff;
	v10 =	vpop (erf)  }
0xc6: {  	s6 =	simm.s32 $0x1DB40;
	v1 =	vld.idx.msk [tilespmem:v1+s3+$0x0], $0xffff;
	v10 =	vadd.f32 $1.000000000e+00, v10;
	v11 =	vpop (erf);
	(erf) = vrcp.f32 v6  }
0xc7: {  	v6 =	vadd.f32 $1.000000000e+00, v11;
	v11 =	vld [tilespmem:s6+$0x30];
	(erf) = vrcp.f32 v8;
	v8 =	vpop (erf)  }
0xc8: {  	v12 =	vld.idx.msk [tilespmem:v2+s3+$0x0], $0xffff;
	(erf) = vrcp.f32 v10;
	v2 =	vadd.f32 $1.000000000e+00, v8  }
0xc9: {  	v7 =	vld.idx.msk [tilespmem:v7+s3+$0x0], $0xffff;
	v0 =	vsub.f32 $0.0e+00, v0;
	(erf) = vrcp.f32 v6  }
0xca: {  	v3 =	vsub.f32 $0.0e+00, v3;
	v8 =	vld.idx.msk [tilespmem:v5+s3+$0x0], $0xffff;
	(erf) = vrcp.f32 v2  }
0xcb: {  	v9 =	vmul.f32 $1.442695020e+00, v0;
	v10 =	vld.idx.msk [tilespmem:v4+s3+$0x0], $0xffff;
	v4 =	vpop (erf)  }
0xcc: {  	v6 =	vsub.f32 $0.0e+00, v1;
	v11 =	vmul.f32 v4, v11;
	v4 =	vmul.f32 $1.442695020e+00, v3  }
0xcd: {  	v5 =	vld [tilespmem:s6+$0xFFFFFFD0];
	v12 =	vsub.f32 $0.0e+00, v12;
	v1 =	vpop (erf)  }
0xce: {  	v2 =	vld [tilespmem:s6+$0xFFFFFFC0];
	v13 =	vmul.f32 $1.442695020e+00, v6;
	(erf) = vpow2.f32 v9;
	v0 =	vpop (erf)  }
0xcf: {  	v6 =	vld [tilespmem:s6+$0xFFFFFFE0];
	v12 =	vmul.f32 $1.442695020e+00, v12;
	v9 =	vsub.f32 $0.0e+00, v8;
	v3 =	vpop (erf);
	(erf) = vpow2.f32 v4  }
0xd0: {  	v14 =	vsub.f32 $0.0e+00, v7;
	v8 =	vld [tilespmem:s6+$0xFFFFFFF0];
	(erf) = vpow2.f32 v13;
	v4 =	vpop (erf)  }
0xd1: {  	[tilespmem:s6+$0x30] =	vst v11;
	v11 =	vld [tilespmem:s6+$0x20];
	v16 =	vsub.f32 $0.0e+00, v10;
	v17 =	vmul.f32 $1.442695020e+00, v9;
	v7 =	vpop (erf)  }
0xd2: {  	v15 =	vsub.f32 $0.0e+00, v15;
	v14 =	vmul.f32 $1.442695020e+00, v14;
	v10 =	vld [tilespmem:s6+$0x10];
	(erf) = vpow2.f32 v12;
	v13 =	vpop (erf)  }
0xd3: {  	s7 =	simm.s32 $0x8;
	s8 =	simm.s32 $0x19870;
	v9 =	vld [tilespmem:s6+$0x0];
	v16 =	vmul.f32 $1.442695020e+00, v16;
	(erf) = vpow2.f32 v17;
	v12 =	vpop (erf)  }
.LBB2_4:
0xd4: {  	v17 =	vld [tilespmem:s8+$0x0];
	s7 =	sadd.s32 $0x8, s7;
	v18 =	vmul.f32 $1.442695020e+00, v15;
	(erf) = vpow2.f32 v14  }
0xd5: {  	v2 =	vmul.f32 v13, v2;
	v14 =	vld [tilespmem:s8+$0xFFFFFFA0];
	p0 =	slt.u32 s7, $0xF8;
	(erf) = vpow2.f32 v16  }
0xd6: {  	v1 =	vmul.f32 v1, v5;
	v13 =	vld [tilespmem:s8+$0xFFFFFFB0];
	(erf) = vpow2.f32 v18  }
0xd7: {  	v0 =	vmul.f32 v0, v6;
	v5 =	vld [tilespmem:s8+$0xFFFFFFC0];
	v15 =	vpop (erf);
	[tilespmem:s6+$0xFFFFFFC0] =	vst v2;
	v2 =	vmul.f32 v3, v8  }
0xd8: {  	v3 =	vld [tilespmem:s8+$0xFFFFFFD0];
	v15 =	vadd.f32 $1.000000000e+00, v15;
	v8 =	vpop (erf);
	[tilespmem:s6+$0xFFFFFFD0] =	vst v1;
	v1 =	vmul.f32 v4, v9;
	v4 =	vmul.f32 v7, v10  }
0xd9: {  	v7 =	vld [tilespmem:s8+$0xFFFFFFE0];
	v16 =	vadd.f32 $1.000000000e+00, v8;
	v9 =	vpop (erf);
	[tilespmem:s6+$0xFFFFFFE0] =	vst v0;
	v0 =	vmul.f32 v12, v11  }
0xda: {  	v10 =	vld [tilespmem:s8+$0xFFFFFFF0];
	v11 =	vadd.f32 $1.000000000e+00, v9;
	(erf) = vrcp.f32 v15;
	[tilespmem:s6+$0xFFFFFFF0] =	vst v2  }
0xdb: {  	v2 =	vld [tilespmem:s8+$0xFFFFFF90];
	(erf) = vrcp.f32 v16;
	v6 =	vpop (erf);
	[tilespmem:s6+$0x0] =	vst v1  }
0xdc: {  	v1 =	vld.idx.msk [tilespmem:v17+s3+$0x0], $0xffff;
	v6 =	vadd.f32 $1.000000000e+00, v6;
	(erf) = vrcp.f32 v11;
	v8 =	vpop (erf);
	[tilespmem:s6+$0x10] =	vst v4  }
0xdd: {  	v4 =	vld.idx.msk [tilespmem:v14+s3+$0x0], $0xffff;
	v12 =	vadd.f32 $1.000000000e+00, v8;
	v9 =	vpop (erf);
	[tilespmem:s6+$0x20] =	vst v0  }
0xde: {  	s6 =	sadd.s32 $0x80, s6;
	v0 =	vld.idx.msk [tilespmem:v13+s3+$0x0], $0xffff;
	v9 =	vadd.f32 $1.000000000e+00, v9;
	v11 =	vpop (erf);
	(erf) = vrcp.f32 v6  }
0xdf: {  	v6 =	vadd.f32 $1.000000000e+00, v11;
	v11 =	vld [tilespmem:s6+$0x30];
	(erf) = vrcp.f32 v12;
	v8 =	vpop (erf)  }
0xe0: {  	v5 =	vld.idx.msk [tilespmem:v5+s3+$0x0], $0xffff;
	v8 =	vadd.f32 $1.000000000e+00, v8;
	(erf) = vrcp.f32 v9  }
0xe1: {  	v3 =	vld.idx.msk [tilespmem:v3+s3+$0x0], $0xffff;
	(erf) = vrcp.f32 v6  }
0xe2: {  	v12 =	vsub.f32 $0.0e+00, v1;
	v7 =	vld.idx.msk [tilespmem:v7+s3+$0x0], $0xffff;
	(erf) = vrcp.f32 v8  }
0xe3: {  	v9 =	vld.idx.msk [tilespmem:v2+s3+$0x0], $0xffff;
	v2 =	vsub.f32 $0.0e+00, v4;
	v4 =	vpop (erf)  }
0xe4: {  	v6 =	vsub.f32 $0.0e+00, v0;
	v8 =	vmul.f32 $1.442695020e+00, v12;
	v10 =	vld.idx.msk [tilespmem:v10+s3+$0x0], $0xffff;
	v4 =	vmul.f32 v4, v11;
	v1 =	vpop (erf)  }
0xe5: {  	v11 =	vmul.f32 $1.442695020e+00, v2;
	v2 =	vld [tilespmem:s6+$0xFFFFFFC0];
	v0 =	vpop (erf)  }
0xe6: {  	v12 =	vmul.f32 $1.442695020e+00, v6;
	v13 =	vsub.f32 $0.0e+00, v5;
	(erf) = vpow2.f32 v8;
	v5 =	vld [tilespmem:s6+$0xFFFFFFD0];
	[tilespmem:s6+$0x30] =	vst v4  }
.Ltmp1:
0xe7: {  	v14 =	vsub.f32 $0.0e+00, v3;
	(erf) = vpow2.f32 v11;
	v6 =	vld [tilespmem:s6+$0xFFFFFFE0];
	v3 =	vpop (erf);
	(pc) =	sbr.rel @p0 .LBB2_4-.Ltmp1, $4  }
0xe8: {  	v11 =	vmul.f32 $1.442695020e+00, v13;
	v16 =	vsub.f32 $0.0e+00, v7;
	(erf) = vpow2.f32 v12;
	v8 =	vld [tilespmem:s6+$0xFFFFFFF0];
	v4 =	vpop (erf)  }
0xe9: {  	v18 =	vsub.f32 $0.0e+00, v9;
	v17 =	vmul.f32 $1.442695020e+00, v14;
	v9 =	vld [tilespmem:s6+$0x0];
	v7 =	vpop (erf)  }
0xea: {  	v14 =	vmul.f32 $1.442695020e+00, v16;
	v15 =	vsub.f32 $0.0e+00, v10;
	(erf) = vpow2.f32 v11;
	v10 =	vld [tilespmem:s6+$0x10];
	v13 =	vpop (erf)  }
0xeb: {  	s8 =	sadd.s32 $0x80, s8;
	v16 =	vmul.f32 $1.442695020e+00, v18;
	(erf) = vpow2.f32 v17;
	v11 =	vld [tilespmem:s6+$0x20];
	v12 =	vpop (erf)  }
0xec: {  	_ =	sdelay $0x2  }
0xed: {  	(erf) = vpow2.f32 v14;
	v14 =	vmul.f32 $1.442695020e+00, v15;
	v15 =	vpop (erf)  }
0xee: {  	(erf) = vpow2.f32 v16;
	v15 =	vadd.f32 $1.000000000e+00, v15;
	_ =	sdelay $0x1  }
0xef: {  	v16 =	vpop (erf)  }
0xf0: {  	(erf) = vpow2.f32 v14;
	v14 =	vadd.f32 $1.000000000e+00, v16;
	v16 =	vpop (erf)  }
0xf1: {  	v16 =	vadd.f32 $1.000000000e+00, v16;
	(erf) = vrcp.f32 v15;
	v15 =	vpop (erf)  }
0xf2: {  	(erf) = vrcp.f32 v14;
	v14 =	vadd.f32 $1.000000000e+00, v15;
	_ =	sdelay $0x1  }
0xf3: {  	v15 =	vpop (erf)  }
0xf4: {  	(erf) = vrcp.f32 v16;
	v15 =	vadd.f32 $1.000000000e+00, v15;
	v16 =	vpop (erf)  }
0xf5: {  	v16 =	vadd.f32 $1.000000000e+00, v16;
	(erf) = vrcp.f32 v14;
	v14 =	vpop (erf)  }
0xf6: {  	(erf) = vrcp.f32 v15;
	v14 =	vadd.f32 $1.000000000e+00, v14  }
0xf7: {  	(erf) = vrcp.f32 v16  }
0xf8: {  	(erf) = vrcp.f32 v14  }
0xf9: {  	v2 =	vmul.f32 v13, v2;
	v13 =	vpop (erf)  }
0xfa: {  	s7 =	sadd.s32 $0x80, s6;
	v0 =	vmul.f32 v0, v6;
	v6 =	vadd.f32 $1.000000000e+00, v13  }
0xfb: {  	v1 =	vmul.f32 v1, v5;
	[tilespmem:s6+$0xFFFFFFC0] =	vst v2;
	v2 =	vld [tilespmem:s7+$0x30];
	v5 =	vpop (erf)  }
0xfc: {  	v13 =	vpop (erf)  }
0xfd: {  	v3 =	vmul.f32 v3, v8;
	[tilespmem:s6+$0xFFFFFFD0] =	vst v1;
	v1 =	vld [tilespmem:s7+$0xFFFFFFC0];
	v7 =	vmul.f32 v7, v10;
	v8 =	vpop (erf)  }
0xfe: {  	v4 =	vmul.f32 v4, v9;
	[tilespmem:s6+$0xFFFFFFE0] =	vst v0;
	v0 =	vld [tilespmem:s7+$0xFFFFFFD0];
	(erf) = vrcp.f32 v6;
	v6 =	vpop (erf)  }
0xff: {  	[tilespmem:s6+$0xFFFFFFF0] =	vst v3;
	v3 =	vld [tilespmem:s7+$0xFFFFFFE0];
	v9 =	vpop (erf)  }
0x100: {  	v10 =	vmul.f32 v12, v11;
	[tilespmem:s6+$0x0] =	vst v4;
	v2 =	vmul.f32 v5, v2;
	v5 =	vld [tilespmem:s7+$0x0];
	v11 =	vpop (erf)  }
0x101: {  	[tilespmem:s6+$0x10] =	vst v7;
	v7 =	vpop (erf)  }
0x102: {  	v4 =	vld [tilespmem:s7+$0xFFFFFFF0];
	[tilespmem:s6+$0x20] =	vst v10;
	v1 =	vmul.f32 v7, v1  }
0x103: {  	v10 =	vld [tilespmem:s7+$0x10];
	v0 =	vmul.f32 v13, v0;
	[tilespmem:s7+$0x30] =	vst v2  }
0x104: {  	v2 =	vld [tilespmem:s7+$0x20];
	[tilespmem:s7+$0xFFFFFFC0] =	vst v1;
	v1 =	vmul.f32 v8, v3  }
0x105: {  	[tilespmem:s7+$0xFFFFFFD0] =	vst v0;
	v0 =	vmul.f32 v9, v5;
	_ =	sdelay $0x1  }
0x106: {  	[tilespmem:s7+$0x0] =	vst v0;
	v3 =	vmul.f32 v6, v4  }
0x107: {  	v4 =	vmul.f32 v11, v10;
	[tilespmem:s7+$0xFFFFFFE0] =	vst v1;
	v1 =	vpop (erf)  }
0x108: {  	[tilespmem:s7+$0xFFFFFFF0] =	vst v3;
	v1 =	vmul.f32 v1, v2  }
0x109: {  	[tilespmem:s7+$0x10] =	vst v4  }
0x10a: {  	[tilespmem:s7+$0x20] =	vst v1  }
0x10b: {  	[hbm4b:s10+s26] =	stream.strided.scatter [tilespmem:s2], [sflag:$0x5], $0x1000, s28, s26, $0x38;
	[tilespmem:$0x1EB00] =	vst v63  }
0x10c: {  	_ =	swait.ge [sflag:s4], $0x1000  }
0x10d: {  	[sflag:s4] =	ssyncset.done $0x0  }
0x10e: {  	[sflag:s4] =	ssyncadd.s32 $0xFFFFF000  }
0x10f: {  	[tilespmem:s2], [sflag:$0x3] =	stream.strided.gather [hbm4b:s11+s26], $0x1000, s28, s26, $0x38;
	[tilespmem:$0x1EB00] =	vst v63  }
0x110: {  	_ =	swait.ge [sflag:s31], $0x1000  }
0x111: {  	[sflag:s31] =	ssyncset.done $0x0  }
0x112: {  	s7 =	simm.s32 $0x1A770;
	[sflag:s31] =	ssyncadd.s32 $0xFFFFF000  }
0x113: {  	v0 =	vld [tilespmem:s7+$0x0]  }
0x114: {  	v1 =	vld [tilespmem:s7+$0xFFFFFFA0]  }
0x115: {  	v2 =	vld [tilespmem:s7+$0xFFFFFFB0]  }
0x116: {  	v3 =	vld [tilespmem:s7+$0xFFFFFFC0]  }
0x117: {  	v4 =	vld [tilespmem:s7+$0xFFFFFFD0]  }
0x118: {  	v5 =	vld [tilespmem:s7+$0xFFFFFFE0]  }
0x119: {  	v6 =	vld [tilespmem:s7+$0xFFFFFF90]  }
0x11a: {  	v7 =	vld [tilespmem:s7+$0xFFFFFFF0]  }
0x11b: {  	v0 =	vld.idx.msk [tilespmem:v0+s3+$0x0], $0xffff  }
0x11c: {  	v1 =	vld.idx.msk [tilespmem:v1+s3+$0x0], $0xffff  }
0x11d: {  	v2 =	vld.idx.msk [tilespmem:v2+s3+$0x0], $0xffff  }
0x11e: {  	v3 =	vld.idx.msk [tilespmem:v3+s3+$0x0], $0xffff  }
0x11f: {  	v4 =	vld.idx.msk [tilespmem:v4+s3+$0x0], $0xffff  }
0x120: {  	v0 =	vsub.f32 $0.0e+00, v0  }
0x121: {  	v1 =	vsub.f32 $0.0e+00, v1  }
0x122: {  	v5 =	vld.idx.msk [tilespmem:v5+s3+$0x0], $0xffff;
	v2 =	vsub.f32 $0.0e+00, v2;
	v0 =	vmul.f32 $1.442695020e+00, v0  }
0x123: {  	v6 =	vld.idx.msk [tilespmem:v6+s3+$0x0], $0xffff;
	v3 =	vsub.f32 $0.0e+00, v3;
	v1 =	vmul.f32 $1.442695020e+00, v1  }
0x124: {  	v7 =	vld.idx.msk [tilespmem:v7+s3+$0x0], $0xffff;
	v2 =	vmul.f32 $1.442695020e+00, v2;
	(erf) = vpow2.f32 v0;
	v0 =	vsub.f32 $0.0e+00, v4  }
0x125: {  	s8 =	simm.s32 $0x1A7F0;
	(erf) = vpow2.f32 v1;
	v1 =	vmul.f32 $1.442695020e+00, v3  }
0x126: {  	v9 =	vld [tilespmem:s8+$0xFFFFFFF0];
	(erf) = vpow2.f32 v2;
	v0 =	vmul.f32 $1.442695020e+00, v0  }
0x127: {  	v3 =	vsub.f32 $0.0e+00, v5;
	(erf) = vpow2.f32 v1  }
0x128: {  	v2 =	vsub.f32 $0.0e+00, v6;
	(erf) = vpow2.f32 v0  }
0x129: {  	v4 =	vsub.f32 $0.0e+00, v7;
	v3 =	vmul.f32 $1.442695020e+00, v3  }
0x12a: {  	v1 =	vmul.f32 $1.442695020e+00, v2  }
0x12b: {  	v0 =	vld [tilespmem:s8+$0x0];
	v2 =	vmul.f32 $1.442695020e+00, v4;
	(erf) = vpow2.f32 v3  }
0x12c: {  	v3 =	vld [tilespmem:s8+$0xFFFFFFA0];
	(erf) = vpow2.f32 v1  }
0x12d: {  	v1 =	vld [tilespmem:s8+$0xFFFFFFB0];
	(erf) = vpow2.f32 v2;
	v4 =	vpop (erf)  }
0x12e: {  	v15 =	vld.idx.msk [tilespmem:v9+s3+$0x0], $0xffff;
	v4 =	vadd.f32 $1.000000000e+00, v4;
	v6 =	vpop (erf)  }
0x12f: {  	v2 =	vld [tilespmem:s8+$0xFFFFFFC0];
	v6 =	vadd.f32 $1.000000000e+00, v6;
	v8 =	vpop (erf)  }
0x130: {  	v7 =	vld [tilespmem:s8+$0xFFFFFFE0];
	v8 =	vadd.f32 $1.000000000e+00, v8;
	(erf) = vrcp.f32 v4;
	v10 =	vpop (erf)  }
0x131: {  	v5 =	vld [tilespmem:s8+$0xFFFFFFD0];
	(erf) = vrcp.f32 v6;
	v6 =	vadd.f32 $1.000000000e+00, v10;
	v10 =	vpop (erf)  }
0x132: {  	v4 =	vld [tilespmem:s8+$0xFFFFFF90];
	(erf) = vrcp.f32 v8;
	v8 =	vadd.f32 $1.000000000e+00, v10  }
0x133: {  	v0 =	vld.idx.msk [tilespmem:v0+s3+$0x0], $0xffff  }
0x134: {  	v3 =	vld.idx.msk [tilespmem:v3+s3+$0x0], $0xffff;
	v10 =	vpop (erf)  }
0x135: {  	s6 =	simm.s32 $0x1CB40;
	v1 =	vld.idx.msk [tilespmem:v1+s3+$0x0], $0xffff;
	v10 =	vadd.f32 $1.000000000e+00, v10;
	v11 =	vpop (erf);
	(erf) = vrcp.f32 v6  }
0x136: {  	v6 =	vadd.f32 $1.000000000e+00, v11;
	v11 =	vld [tilespmem:s6+$0x30];
	(erf) = vrcp.f32 v8;
	v8 =	vpop (erf)  }
0x137: {  	v12 =	vld.idx.msk [tilespmem:v2+s3+$0x0], $0xffff;
	(erf) = vrcp.f32 v10;
	v2 =	vadd.f32 $1.000000000e+00, v8  }
0x138: {  	v7 =	vld.idx.msk [tilespmem:v7+s3+$0x0], $0xffff;
	v0 =	vsub.f32 $0.0e+00, v0;
	(erf) = vrcp.f32 v6  }
0x139: {  	v3 =	vsub.f32 $0.0e+00, v3;
	v8 =	vld.idx.msk [tilespmem:v5+s3+$0x0], $0xffff;
	(erf) = vrcp.f32 v2  }
0x13a: {  	v9 =	vmul.f32 $1.442695020e+00, v0;
	v10 =	vld.idx.msk [tilespmem:v4+s3+$0x0], $0xffff;
	v4 =	vpop (erf)  }
0x13b: {  	v6 =	vsub.f32 $0.0e+00, v1;
	v11 =	vmul.f32 v4, v11;
	v4 =	vmul.f32 $1.442695020e+00, v3  }
0x13c: {  	v5 =	vld [tilespmem:s6+$0xFFFFFFD0];
	v12 =	vsub.f32 $0.0e+00, v12;
	v1 =	vpop (erf)  }
0x13d: {  	v2 =	vld [tilespmem:s6+$0xFFFFFFC0];
	v13 =	vmul.f32 $1.442695020e+00, v6;
	(erf) = vpow2.f32 v9;
	v0 =	vpop (erf)  }
0x13e: {  	v6 =	vld [tilespmem:s6+$0xFFFFFFE0];
	v12 =	vmul.f32 $1.442695020e+00, v12;
	v9 =	vsub.f32 $0.0e+00, v8;
	v3 =	vpop (erf);
	(erf) = vpow2.f32 v4  }
0x13f: {  	v14 =	vsub.f32 $0.0e+00, v7;
	v8 =	vld [tilespmem:s6+$0xFFFFFFF0];
	(erf) = vpow2.f32 v13;
	v4 =	vpop (erf)  }
0x140: {  	[tilespmem:s6+$0x30] =	vst v11;
	v11 =	vld [tilespmem:s6+$0x20];
	v16 =	vsub.f32 $0.0e+00, v10;
	v17 =	vmul.f32 $1.442695020e+00, v9;
	v7 =	vpop (erf)  }
0x141: {  	v15 =	vsub.f32 $0.0e+00, v15;
	v14 =	vmul.f32 $1.442695020e+00, v14;
	v10 =	vld [tilespmem:s6+$0x10];
	(erf) = vpow2.f32 v12;
	v13 =	vpop (erf)  }
0x142: {  	s7 =	simm.s32 $0x8;
	s8 =	simm.s32 $0x1A870;
	v9 =	vld [tilespmem:s6+$0x0];
	v16 =	vmul.f32 $1.442695020e+00, v16;
	(erf) = vpow2.f32 v17;
	v12 =	vpop (erf)  }
.LBB2_6:
0x143: {  	v17 =	vld [tilespmem:s8+$0x0];
	s7 =	sadd.s32 $0x8, s7;
	v18 =	vmul.f32 $1.442695020e+00, v15;
	(erf) = vpow2.f32 v14  }
0x144: {  	v2 =	vmul.f32 v13, v2;
	v14 =	vld [tilespmem:s8+$0xFFFFFFA0];
	p0 =	slt.u32 s7, $0xF8;
	(erf) = vpow2.f32 v16  }
0x145: {  	v1 =	vmul.f32 v1, v5;
	v13 =	vld [tilespmem:s8+$0xFFFFFFB0];
	(erf) = vpow2.f32 v18  }
0x146: {  	v0 =	vmul.f32 v0, v6;
	v5 =	vld [tilespmem:s8+$0xFFFFFFC0];
	v15 =	vpop (erf);
	[tilespmem:s6+$0xFFFFFFC0] =	vst v2;
	v2 =	vmul.f32 v3, v8  }
0x147: {  	v3 =	vld [tilespmem:s8+$0xFFFFFFD0];
	v15 =	vadd.f32 $1.000000000e+00, v15;
	v8 =	vpop (erf);
	[tilespmem:s6+$0xFFFFFFD0] =	vst v1;
	v1 =	vmul.f32 v4, v9;
	v4 =	vmul.f32 v7, v10  }
0x148: {  	v7 =	vld [tilespmem:s8+$0xFFFFFFE0];
	v16 =	vadd.f32 $1.000000000e+00, v8;
	v9 =	vpop (erf);
	[tilespmem:s6+$0xFFFFFFE0] =	vst v0;
	v0 =	vmul.f32 v12, v11  }
0x149: {  	v10 =	vld [tilespmem:s8+$0xFFFFFFF0];
	v11 =	vadd.f32 $1.000000000e+00, v9;
	(erf) = vrcp.f32 v15;
	[tilespmem:s6+$0xFFFFFFF0] =	vst v2  }
0x14a: {  	v2 =	vld [tilespmem:s8+$0xFFFFFF90];
	(erf) = vrcp.f32 v16;
	v6 =	vpop (erf);
	[tilespmem:s6+$0x0] =	vst v1  }
0x14b: {  	v1 =	vld.idx.msk [tilespmem:v17+s3+$0x0], $0xffff;
	v6 =	vadd.f32 $1.000000000e+00, v6;
	(erf) = vrcp.f32 v11;
	v8 =	vpop (erf);
	[tilespmem:s6+$0x10] =	vst v4  }
0x14c: {  	v4 =	vld.idx.msk [tilespmem:v14+s3+$0x0], $0xffff;
	v12 =	vadd.f32 $1.000000000e+00, v8;
	v9 =	vpop (erf);
	[tilespmem:s6+$0x20] =	vst v0  }
0x14d: {  	s6 =	sadd.s32 $0x80, s6;
	v0 =	vld.idx.msk [tilespmem:v13+s3+$0x0], $0xffff;
	v9 =	vadd.f32 $1.000000000e+00, v9;
	v11 =	vpop (erf);
	(erf) = vrcp.f32 v6  }
0x14e: {  	v6 =	vadd.f32 $1.000000000e+00, v11;
	v11 =	vld [tilespmem:s6+$0x30];
	(erf) = vrcp.f32 v12;
	v8 =	vpop (erf)  }
0x14f: {  	v5 =	vld.idx.msk [tilespmem:v5+s3+$0x0], $0xffff;
	v8 =	vadd.f32 $1.000000000e+00, v8;
	(erf) = vrcp.f32 v9  }
0x150: {  	v3 =	vld.idx.msk [tilespmem:v3+s3+$0x0], $0xffff;
	(erf) = vrcp.f32 v6  }
0x151: {  	v12 =	vsub.f32 $0.0e+00, v1;
	v7 =	vld.idx.msk [tilespmem:v7+s3+$0x0], $0xffff;
	(erf) = vrcp.f32 v8  }
0x152: {  	v9 =	vld.idx.msk [tilespmem:v2+s3+$0x0], $0xffff;
	v2 =	vsub.f32 $0.0e+00, v4;
	v4 =	vpop (erf)  }
0x153: {  	v6 =	vsub.f32 $0.0e+00, v0;
	v8 =	vmul.f32 $1.442695020e+00, v12;
	v10 =	vld.idx.msk [tilespmem:v10+s3+$0x0], $0xffff;
	v4 =	vmul.f32 v4, v11;
	v1 =	vpop (erf)  }
0x154: {  	v11 =	vmul.f32 $1.442695020e+00, v2;
	v2 =	vld [tilespmem:s6+$0xFFFFFFC0];
	v0 =	vpop (erf)  }
0x155: {  	v12 =	vmul.f32 $1.442695020e+00, v6;
	v13 =	vsub.f32 $0.0e+00, v5;
	(erf) = vpow2.f32 v8;
	v5 =	vld [tilespmem:s6+$0xFFFFFFD0];
	[tilespmem:s6+$0x30] =	vst v4  }
.Ltmp2:
0x156: {  	v14 =	vsub.f32 $0.0e+00, v3;
	(erf) = vpow2.f32 v11;
	v6 =	vld [tilespmem:s6+$0xFFFFFFE0];
	v3 =	vpop (erf);
	(pc) =	sbr.rel @p0 .LBB2_6-.Ltmp2, $4  }
0x157: {  	v11 =	vmul.f32 $1.442695020e+00, v13;
	v16 =	vsub.f32 $0.0e+00, v7;
	(erf) = vpow2.f32 v12;
	v8 =	vld [tilespmem:s6+$0xFFFFFFF0];
	v4 =	vpop (erf)  }
0x158: {  	v18 =	vsub.f32 $0.0e+00, v9;
	v17 =	vmul.f32 $1.442695020e+00, v14;
	v9 =	vld [tilespmem:s6+$0x0];
	v7 =	vpop (erf)  }
0x159: {  	v14 =	vmul.f32 $1.442695020e+00, v16;
	v15 =	vsub.f32 $0.0e+00, v10;
	(erf) = vpow2.f32 v11;
	v10 =	vld [tilespmem:s6+$0x10];
	v13 =	vpop (erf)  }
0x15a: {  	s8 =	sadd.s32 $0x80, s8;
	v16 =	vmul.f32 $1.442695020e+00, v18;
	(erf) = vpow2.f32 v17;
	v11 =	vld [tilespmem:s6+$0x20];
	v12 =	vpop (erf)  }
0x15b: {  	_ =	sdelay $0x2  }
0x15c: {  	(erf) = vpow2.f32 v14;
	v14 =	vmul.f32 $1.442695020e+00, v15;
	v15 =	vpop (erf)  }
0x15d: {  	(erf) = vpow2.f32 v16;
	v15 =	vadd.f32 $1.000000000e+00, v15;
	_ =	sdelay $0x1  }
0x15e: {  	v16 =	vpop (erf)  }
0x15f: {  	(erf) = vpow2.f32 v14;
	v14 =	vadd.f32 $1.000000000e+00, v16;
	v16 =	vpop (erf)  }
0x160: {  	v16 =	vadd.f32 $1.000000000e+00, v16;
	(erf) = vrcp.f32 v15;
	v15 =	vpop (erf)  }
0x161: {  	(erf) = vrcp.f32 v14;
	v14 =	vadd.f32 $1.000000000e+00, v15;
	_ =	sdelay $0x1  }
0x162: {  	v15 =	vpop (erf)  }
0x163: {  	(erf) = vrcp.f32 v16;
	v15 =	vadd.f32 $1.000000000e+00, v15;
	v16 =	vpop (erf)  }
0x164: {  	v16 =	vadd.f32 $1.000000000e+00, v16;
	(erf) = vrcp.f32 v14;
	v14 =	vpop (erf)  }
0x165: {  	(erf) = vrcp.f32 v15;
	v14 =	vadd.f32 $1.000000000e+00, v14  }
0x166: {  	(erf) = vrcp.f32 v16  }
0x167: {  	(erf) = vrcp.f32 v14  }
0x168: {  	v2 =	vmul.f32 v13, v2;
	v13 =	vpop (erf)  }
0x169: {  	s7 =	sadd.s32 $0x80, s6;
	v0 =	vmul.f32 v0, v6;
	v6 =	vadd.f32 $1.000000000e+00, v13  }
0x16a: {  	v1 =	vmul.f32 v1, v5;
	[tilespmem:s6+$0xFFFFFFC0] =	vst v2;
	v2 =	vld [tilespmem:s7+$0x30];
	v5 =	vpop (erf)  }
0x16b: {  	v13 =	vpop (erf)  }
0x16c: {  	v3 =	vmul.f32 v3, v8;
	[tilespmem:s6+$0xFFFFFFD0] =	vst v1;
	v1 =	vld [tilespmem:s7+$0xFFFFFFC0];
	v7 =	vmul.f32 v7, v10;
	v8 =	vpop (erf)  }
0x16d: {  	v4 =	vmul.f32 v4, v9;
	[tilespmem:s6+$0xFFFFFFE0] =	vst v0;
	v0 =	vld [tilespmem:s7+$0xFFFFFFD0];
	(erf) = vrcp.f32 v6;
	v6 =	vpop (erf)  }
0x16e: {  	[tilespmem:s6+$0xFFFFFFF0] =	vst v3;
	v3 =	vld [tilespmem:s7+$0xFFFFFFE0];
	v9 =	vpop (erf)  }
0x16f: {  	v10 =	vmul.f32 v12, v11;
	[tilespmem:s6+$0x0] =	vst v4;
	v2 =	vmul.f32 v5, v2;
	v5 =	vld [tilespmem:s7+$0x0];
	v11 =	vpop (erf)  }
0x170: {  	[tilespmem:s6+$0x10] =	vst v7;
	v7 =	vpop (erf)  }
0x171: {  	v4 =	vld [tilespmem:s7+$0xFFFFFFF0];
	[tilespmem:s6+$0x20] =	vst v10;
	v1 =	vmul.f32 v7, v1  }
0x172: {  	v10 =	vld [tilespmem:s7+$0x10];
	v0 =	vmul.f32 v13, v0;
	[tilespmem:s7+$0x30] =	vst v2  }
0x173: {  	v2 =	vld [tilespmem:s7+$0x20];
	[tilespmem:s7+$0xFFFFFFC0] =	vst v1;
	v1 =	vmul.f32 v8, v3  }
0x174: {  	[tilespmem:s7+$0xFFFFFFD0] =	vst v0;
	v0 =	vmul.f32 v9, v5;
	_ =	sdelay $0x1  }
0x175: {  	[tilespmem:s7+$0x0] =	vst v0;
	v3 =	vmul.f32 v6, v4  }
0x176: {  	v4 =	vmul.f32 v11, v10;
	[tilespmem:s7+$0xFFFFFFE0] =	vst v1;
	v1 =	vpop (erf)  }
0x177: {  	[tilespmem:s7+$0xFFFFFFF0] =	vst v3;
	v1 =	vmul.f32 v1, v2  }
0x178: {  	[tilespmem:s7+$0x10] =	vst v4  }
0x179: {  	[tilespmem:s7+$0x20] =	vst v1  }
0x17a: {  	[hbm4b:s12+s26] =	stream.strided.scatter [tilespmem:s29], [sflag:$0x4], $0x1000, s28, s26, $0x38;
	[tilespmem:$0x1EB00] =	vst v63  }
0x17b: {  	_ =	swait.ge [sflag:s31], $0x1000  }
0x17c: {  	[sflag:s31] =	ssyncset.done $0x0  }
0x17d: {  	s7 =	simm.s32 $0x1B770;
	[sflag:s31] =	ssyncadd.s32 $0xFFFFF000  }
0x17e: {  	v0 =	vld [tilespmem:s7+$0x0]  }
0x17f: {  	v1 =	vld [tilespmem:s7+$0xFFFFFFA0]  }
0x180: {  	v2 =	vld [tilespmem:s7+$0xFFFFFFB0]  }
0x181: {  	v3 =	vld [tilespmem:s7+$0xFFFFFFC0]  }
0x182: {  	v4 =	vld [tilespmem:s7+$0xFFFFFFD0]  }
0x183: {  	v5 =	vld [tilespmem:s7+$0xFFFFFFE0]  }
0x184: {  	v6 =	vld [tilespmem:s7+$0xFFFFFF90]  }
0x185: {  	v7 =	vld [tilespmem:s7+$0xFFFFFFF0]  }
0x186: {  	v0 =	vld.idx.msk [tilespmem:v0+s3+$0x0], $0xffff  }
0x187: {  	v1 =	vld.idx.msk [tilespmem:v1+s3+$0x0], $0xffff  }
0x188: {  	v2 =	vld.idx.msk [tilespmem:v2+s3+$0x0], $0xffff  }
0x189: {  	v3 =	vld.idx.msk [tilespmem:v3+s3+$0x0], $0xffff  }
0x18a: {  	v4 =	vld.idx.msk [tilespmem:v4+s3+$0x0], $0xffff  }
0x18b: {  	v0 =	vsub.f32 $0.0e+00, v0  }
0x18c: {  	v1 =	vsub.f32 $0.0e+00, v1  }
0x18d: {  	v5 =	vld.idx.msk [tilespmem:v5+s3+$0x0], $0xffff;
	v2 =	vsub.f32 $0.0e+00, v2;
	v0 =	vmul.f32 $1.442695020e+00, v0  }
0x18e: {  	v6 =	vld.idx.msk [tilespmem:v6+s3+$0x0], $0xffff;
	v3 =	vsub.f32 $0.0e+00, v3;
	v1 =	vmul.f32 $1.442695020e+00, v1  }
0x18f: {  	v7 =	vld.idx.msk [tilespmem:v7+s3+$0x0], $0xffff;
	v2 =	vmul.f32 $1.442695020e+00, v2;
	(erf) = vpow2.f32 v0;
	v0 =	vsub.f32 $0.0e+00, v4  }
0x190: {  	s8 =	simm.s32 $0x1B7F0;
	(erf) = vpow2.f32 v1;
	v1 =	vmul.f32 $1.442695020e+00, v3  }
0x191: {  	v9 =	vld [tilespmem:s8+$0xFFFFFFF0];
	(erf) = vpow2.f32 v2;
	v0 =	vmul.f32 $1.442695020e+00, v0  }
0x192: {  	v3 =	vsub.f32 $0.0e+00, v5;
	(erf) = vpow2.f32 v1  }
0x193: {  	v2 =	vsub.f32 $0.0e+00, v6;
	(erf) = vpow2.f32 v0  }
0x194: {  	v4 =	vsub.f32 $0.0e+00, v7;
	v3 =	vmul.f32 $1.442695020e+00, v3  }
0x195: {  	v1 =	vmul.f32 $1.442695020e+00, v2  }
0x196: {  	v0 =	vld [tilespmem:s8+$0x0];
	v2 =	vmul.f32 $1.442695020e+00, v4;
	(erf) = vpow2.f32 v3  }
0x197: {  	v3 =	vld [tilespmem:s8+$0xFFFFFFA0];
	(erf) = vpow2.f32 v1  }
0x198: {  	v1 =	vld [tilespmem:s8+$0xFFFFFFB0];
	(erf) = vpow2.f32 v2;
	v4 =	vpop (erf)  }
0x199: {  	v15 =	vld.idx.msk [tilespmem:v9+s3+$0x0], $0xffff;
	v4 =	vadd.f32 $1.000000000e+00, v4;
	v6 =	vpop (erf)  }
0x19a: {  	v2 =	vld [tilespmem:s8+$0xFFFFFFC0];
	v6 =	vadd.f32 $1.000000000e+00, v6;
	v8 =	vpop (erf)  }
0x19b: {  	v7 =	vld [tilespmem:s8+$0xFFFFFFE0];
	v8 =	vadd.f32 $1.000000000e+00, v8;
	(erf) = vrcp.f32 v4;
	v10 =	vpop (erf)  }
0x19c: {  	v5 =	vld [tilespmem:s8+$0xFFFFFFD0];
	(erf) = vrcp.f32 v6;
	v6 =	vadd.f32 $1.000000000e+00, v10;
	v10 =	vpop (erf)  }
0x19d: {  	v4 =	vld [tilespmem:s8+$0xFFFFFF90];
	(erf) = vrcp.f32 v8;
	v8 =	vadd.f32 $1.000000000e+00, v10  }
0x19e: {  	v0 =	vld.idx.msk [tilespmem:v0+s3+$0x0], $0xffff  }
0x19f: {  	v3 =	vld.idx.msk [tilespmem:v3+s3+$0x0], $0xffff;
	v10 =	vpop (erf)  }
0x1a0: {  	s6 =	simm.s32 $0x1DB40;
	v1 =	vld.idx.msk [tilespmem:v1+s3+$0x0], $0xffff;
	v10 =	vadd.f32 $1.000000000e+00, v10;
	v11 =	vpop (erf);
	(erf) = vrcp.f32 v6  }
0x1a1: {  	v6 =	vadd.f32 $1.000000000e+00, v11;
	v11 =	vld [tilespmem:s6+$0x30];
	(erf) = vrcp.f32 v8;
	v8 =	vpop (erf)  }
0x1a2: {  	v12 =	vld.idx.msk [tilespmem:v2+s3+$0x0], $0xffff;
	(erf) = vrcp.f32 v10;
	v2 =	vadd.f32 $1.000000000e+00, v8  }
0x1a3: {  	v7 =	vld.idx.msk [tilespmem:v7+s3+$0x0], $0xffff;
	v0 =	vsub.f32 $0.0e+00, v0;
	(erf) = vrcp.f32 v6  }
0x1a4: {  	v3 =	vsub.f32 $0.0e+00, v3;
	v8 =	vld.idx.msk [tilespmem:v5+s3+$0x0], $0xffff;
	(erf) = vrcp.f32 v2  }
0x1a5: {  	v9 =	vmul.f32 $1.442695020e+00, v0;
	v10 =	vld.idx.msk [tilespmem:v4+s3+$0x0], $0xffff;
	v4 =	vpop (erf)  }
0x1a6: {  	v6 =	vsub.f32 $0.0e+00, v1;
	v11 =	vmul.f32 v4, v11;
	v4 =	vmul.f32 $1.442695020e+00, v3  }
0x1a7: {  	v5 =	vld [tilespmem:s6+$0xFFFFFFD0];
	v12 =	vsub.f32 $0.0e+00, v12;
	v1 =	vpop (erf)  }
0x1a8: {  	v2 =	vld [tilespmem:s6+$0xFFFFFFC0];
	v13 =	vmul.f32 $1.442695020e+00, v6;
	(erf) = vpow2.f32 v9;
	v0 =	vpop (erf)  }
0x1a9: {  	v6 =	vld [tilespmem:s6+$0xFFFFFFE0];
	v12 =	vmul.f32 $1.442695020e+00, v12;
	v9 =	vsub.f32 $0.0e+00, v8;
	v3 =	vpop (erf);
	(erf) = vpow2.f32 v4  }
0x1aa: {  	v14 =	vsub.f32 $0.0e+00, v7;
	v8 =	vld [tilespmem:s6+$0xFFFFFFF0];
	(erf) = vpow2.f32 v13;
	v4 =	vpop (erf)  }
0x1ab: {  	[tilespmem:s6+$0x30] =	vst v11;
	v11 =	vld [tilespmem:s6+$0x20];
	v16 =	vsub.f32 $0.0e+00, v10;
	v17 =	vmul.f32 $1.442695020e+00, v9;
	v7 =	vpop (erf)  }
0x1ac: {  	v15 =	vsub.f32 $0.0e+00, v15;
	v14 =	vmul.f32 $1.442695020e+00, v14;
	v10 =	vld [tilespmem:s6+$0x10];
	(erf) = vpow2.f32 v12;
	v13 =	vpop (erf)  }
0x1ad: {  	s7 =	simm.s32 $0x8;
	s8 =	simm.s32 $0x1B870;
	v9 =	vld [tilespmem:s6+$0x0];
	v16 =	vmul.f32 $1.442695020e+00, v16;
	(erf) = vpow2.f32 v17;
	v12 =	vpop (erf)  }
.LBB2_8:
0x1ae: {  	v17 =	vld [tilespmem:s8+$0x0];
	s7 =	sadd.s32 $0x8, s7;
	v18 =	vmul.f32 $1.442695020e+00, v15;
	(erf) = vpow2.f32 v14  }
0x1af: {  	v2 =	vmul.f32 v13, v2;
	v14 =	vld [tilespmem:s8+$0xFFFFFFA0];
	p0 =	slt.u32 s7, $0xF8;
	(erf) = vpow2.f32 v16  }
0x1b0: {  	v1 =	vmul.f32 v1, v5;
	v13 =	vld [tilespmem:s8+$0xFFFFFFB0];
	(erf) = vpow2.f32 v18  }
0x1b1: {  	v0 =	vmul.f32 v0, v6;
	v5 =	vld [tilespmem:s8+$0xFFFFFFC0];
	v15 =	vpop (erf);
	[tilespmem:s6+$0xFFFFFFC0] =	vst v2;
	v2 =	vmul.f32 v3, v8  }
0x1b2: {  	v3 =	vld [tilespmem:s8+$0xFFFFFFD0];
	v15 =	vadd.f32 $1.000000000e+00, v15;
	v8 =	vpop (erf);
	[tilespmem:s6+$0xFFFFFFD0] =	vst v1;
	v1 =	vmul.f32 v4, v9;
	v4 =	vmul.f32 v7, v10  }
0x1b3: {  	v7 =	vld [tilespmem:s8+$0xFFFFFFE0];
	v16 =	vadd.f32 $1.000000000e+00, v8;
	v9 =	vpop (erf);
	[tilespmem:s6+$0xFFFFFFE0] =	vst v0;
	v0 =	vmul.f32 v12, v11  }
0x1b4: {  	v10 =	vld [tilespmem:s8+$0xFFFFFFF0];
	v11 =	vadd.f32 $1.000000000e+00, v9;
	(erf) = vrcp.f32 v15;
	[tilespmem:s6+$0xFFFFFFF0] =	vst v2  }
0x1b5: {  	v2 =	vld [tilespmem:s8+$0xFFFFFF90];
	(erf) = vrcp.f32 v16;
	v6 =	vpop (erf);
	[tilespmem:s6+$0x0] =	vst v1  }
0x1b6: {  	v1 =	vld.idx.msk [tilespmem:v17+s3+$0x0], $0xffff;
	v6 =	vadd.f32 $1.000000000e+00, v6;
	(erf) = vrcp.f32 v11;
	v8 =	vpop (erf);
	[tilespmem:s6+$0x10] =	vst v4  }
0x1b7: {  	v4 =	vld.idx.msk [tilespmem:v14+s3+$0x0], $0xffff;
	v12 =	vadd.f32 $1.000000000e+00, v8;
	v9 =	vpop (erf);
	[tilespmem:s6+$0x20] =	vst v0  }
0x1b8: {  	s6 =	sadd.s32 $0x80, s6;
	v0 =	vld.idx.msk [tilespmem:v13+s3+$0x0], $0xffff;
	v9 =	vadd.f32 $1.000000000e+00, v9;
	v11 =	vpop (erf);
	(erf) = vrcp.f32 v6  }
0x1b9: {  	v6 =	vadd.f32 $1.000000000e+00, v11;
	v11 =	vld [tilespmem:s6+$0x30];
	(erf) = vrcp.f32 v12;
	v8 =	vpop (erf)  }
0x1ba: {  	v5 =	vld.idx.msk [tilespmem:v5+s3+$0x0], $0xffff;
	v8 =	vadd.f32 $1.000000000e+00, v8;
	(erf) = vrcp.f32 v9  }
0x1bb: {  	v3 =	vld.idx.msk [tilespmem:v3+s3+$0x0], $0xffff;
	(erf) = vrcp.f32 v6  }
0x1bc: {  	v12 =	vsub.f32 $0.0e+00, v1;
	v7 =	vld.idx.msk [tilespmem:v7+s3+$0x0], $0xffff;
	(erf) = vrcp.f32 v8  }
0x1bd: {  	v9 =	vld.idx.msk [tilespmem:v2+s3+$0x0], $0xffff;
	v2 =	vsub.f32 $0.0e+00, v4;
	v4 =	vpop (erf)  }
0x1be: {  	v6 =	vsub.f32 $0.0e+00, v0;
	v8 =	vmul.f32 $1.442695020e+00, v12;
	v10 =	vld.idx.msk [tilespmem:v10+s3+$0x0], $0xffff;
	v4 =	vmul.f32 v4, v11;
	v1 =	vpop (erf)  }
0x1bf: {  	v11 =	vmul.f32 $1.442695020e+00, v2;
	v2 =	vld [tilespmem:s6+$0xFFFFFFC0];
	v0 =	vpop (erf)  }
0x1c0: {  	v12 =	vmul.f32 $1.442695020e+00, v6;
	v13 =	vsub.f32 $0.0e+00, v5;
	(erf) = vpow2.f32 v8;
	v5 =	vld [tilespmem:s6+$0xFFFFFFD0];
	[tilespmem:s6+$0x30] =	vst v4  }
.Ltmp3:
0x1c1: {  	v14 =	vsub.f32 $0.0e+00, v3;
	(erf) = vpow2.f32 v11;
	v6 =	vld [tilespmem:s6+$0xFFFFFFE0];
	v3 =	vpop (erf);
	(pc) =	sbr.rel @p0 .LBB2_8-.Ltmp3, $4  }
0x1c2: {  	v11 =	vmul.f32 $1.442695020e+00, v13;
	v16 =	vsub.f32 $0.0e+00, v7;
	(erf) = vpow2.f32 v12;
	v8 =	vld [tilespmem:s6+$0xFFFFFFF0];
	v4 =	vpop (erf)  }
0x1c3: {  	v18 =	vsub.f32 $0.0e+00, v9;
	v17 =	vmul.f32 $1.442695020e+00, v14;
	v9 =	vld [tilespmem:s6+$0x0];
	v7 =	vpop (erf)  }
0x1c4: {  	v14 =	vmul.f32 $1.442695020e+00, v16;
	v15 =	vsub.f32 $0.0e+00, v10;
	(erf) = vpow2.f32 v11;
	v10 =	vld [tilespmem:s6+$0x10];
	v13 =	vpop (erf)  }
0x1c5: {  	s8 =	sadd.s32 $0x80, s8;
	v16 =	vmul.f32 $1.442695020e+00, v18;
	(erf) = vpow2.f32 v17;
	v11 =	vld [tilespmem:s6+$0x20];
	v12 =	vpop (erf)  }
0x1c6: {  	_ =	sdelay $0x2  }
0x1c7: {  	(erf) = vpow2.f32 v14;
	v14 =	vmul.f32 $1.442695020e+00, v15;
	v15 =	vpop (erf)  }
0x1c8: {  	(erf) = vpow2.f32 v16;
	v15 =	vadd.f32 $1.000000000e+00, v15;
	_ =	sdelay $0x1  }
0x1c9: {  	v16 =	vpop (erf)  }
0x1ca: {  	(erf) = vpow2.f32 v14;
	v14 =	vadd.f32 $1.000000000e+00, v16;
	v16 =	vpop (erf)  }
0x1cb: {  	v16 =	vadd.f32 $1.000000000e+00, v16;
	(erf) = vrcp.f32 v15;
	v15 =	vpop (erf)  }
0x1cc: {  	(erf) = vrcp.f32 v14;
	v14 =	vadd.f32 $1.000000000e+00, v15;
	_ =	sdelay $0x1  }
0x1cd: {  	v15 =	vpop (erf)  }
0x1ce: {  	(erf) = vrcp.f32 v16;
	v15 =	vadd.f32 $1.000000000e+00, v15;
	v16 =	vpop (erf)  }
0x1cf: {  	v16 =	vadd.f32 $1.000000000e+00, v16;
	(erf) = vrcp.f32 v14;
	v14 =	vpop (erf)  }
0x1d0: {  	(erf) = vrcp.f32 v15;
	v14 =	vadd.f32 $1.000000000e+00, v14  }
0x1d1: {  	(erf) = vrcp.f32 v16  }
0x1d2: {  	(erf) = vrcp.f32 v14  }
0x1d3: {  	v2 =	vmul.f32 v13, v2;
	v13 =	vpop (erf)  }
0x1d4: {  	s7 =	sadd.s32 $0x80, s6;
	v0 =	vmul.f32 v0, v6;
	v6 =	vadd.f32 $1.000000000e+00, v13  }
0x1d5: {  	v1 =	vmul.f32 v1, v5;
	[tilespmem:s6+$0xFFFFFFC0] =	vst v2;
	v2 =	vld [tilespmem:s7+$0x30];
	v5 =	vpop (erf)  }
0x1d6: {  	v13 =	vpop (erf)  }
0x1d7: {  	v3 =	vmul.f32 v3, v8;
	[tilespmem:s6+$0xFFFFFFD0] =	vst v1;
	v1 =	vld [tilespmem:s7+$0xFFFFFFC0];
	v7 =	vmul.f32 v7, v10;
	v8 =	vpop (erf)  }
0x1d8: {  	v4 =	vmul.f32 v4, v9;
	[tilespmem:s6+$0xFFFFFFE0] =	vst v0;
	v0 =	vld [tilespmem:s7+$0xFFFFFFD0];
	(erf) = vrcp.f32 v6;
	v6 =	vpop (erf)  }
0x1d9: {  	[tilespmem:s6+$0xFFFFFFF0] =	vst v3;
	v3 =	vld [tilespmem:s7+$0xFFFFFFE0];
	v9 =	vpop (erf)  }
0x1da: {  	v10 =	vmul.f32 v12, v11;
	[tilespmem:s6+$0x0] =	vst v4;
	v2 =	vmul.f32 v5, v2;
	v5 =	vld [tilespmem:s7+$0x0];
	v11 =	vpop (erf)  }
0x1db: {  	[tilespmem:s6+$0x10] =	vst v7;
	v7 =	vpop (erf)  }
0x1dc: {  	v4 =	vld [tilespmem:s7+$0xFFFFFFF0];
	[tilespmem:s6+$0x20] =	vst v10;
	v1 =	vmul.f32 v7, v1  }
0x1dd: {  	v10 =	vld [tilespmem:s7+$0x10];
	v0 =	vmul.f32 v13, v0;
	[tilespmem:s7+$0x30] =	vst v2  }
0x1de: {  	v2 =	vld [tilespmem:s7+$0x20];
	[tilespmem:s7+$0xFFFFFFC0] =	vst v1;
	v1 =	vmul.f32 v8, v3  }
0x1df: {  	[tilespmem:s7+$0xFFFFFFD0] =	vst v0;
	v0 =	vmul.f32 v9, v5;
	_ =	sdelay $0x1  }
0x1e0: {  	[tilespmem:s7+$0x0] =	vst v0;
	v3 =	vmul.f32 v6, v4  }
0x1e1: {  	v4 =	vmul.f32 v11, v10;
	[tilespmem:s7+$0xFFFFFFE0] =	vst v1;
	v1 =	vpop (erf)  }
0x1e2: {  	[tilespmem:s7+$0xFFFFFFF0] =	vst v3;
	v1 =	vmul.f32 v1, v2  }
0x1e3: {  	[tilespmem:s7+$0x10] =	vst v4  }
0x1e4: {  	[tilespmem:s7+$0x20] =	vst v1  }
0x1e5: {  	[hbm4b:s13+s26] =	stream.strided.scatter [tilespmem:s2], [sflag:$0x5], $0x1000, s28, s26, $0x38;
	[tilespmem:$0x1EB00] =	vst v63  }
0x1e6: {  	_ =	swait.ge [sflag:s1], $0x1000  }
0x1e7: {  	[sflag:s1] =	ssyncset.done $0x0  }
0x1e8: {  	[sflag:s1] =	ssyncadd.s32 $0xFFFFF000  }
0x1e9: {  	_ =	swait.ge [sflag:s4], $0x1000  }
0x1ea: {  	[sflag:s4] =	ssyncset.done $0x0  }
0x1eb: {  	[sflag:s4] =	ssyncadd.s32 $0xFFFFF000  }
0x1ec: {  	[tilespmem:s3], [sflag:$0x1] =	stream.strided.gather [hbm4b:s14+s26], $0x18700, s28, s26, $0x38;
	[tilespmem:$0x1EB00] =	vst v63  }
0x1ed: {  	_ = 	snop  }
0x1ee: {  	[tilespmem:s29], [sflag:$0x3] =	stream.strided.gather [hbm4b:s15+s26], $0x1000, s28, s26, $0x38;
	[tilespmem:$0x1EB00] =	vst v63  }
0x1ef: {  	_ =	swait.ge [sflag:s0], $0x18700  }
0x1f0: {  	[sflag:s0] =	ssyncset.done $0x0  }
0x1f1: {  	[sflag:s0] =	ssyncadd.s32 $0xFFFE7900  }
0x1f2: {  	[tilespmem:s2], [sflag:$0x3] =	stream.strided.gather [hbm4b:s16+s26], $0x1000, s28, s26, $0x38;
	[tilespmem:$0x1EB00] =	vst v63  }
0x1f3: {  	_ =	swait.ge [sflag:s31], $0x1000  }
0x1f4: {  	[sflag:s31] =	ssyncset.done $0x0  }
0x1f5: {  	s7 =	simm.s32 $0x18740;
	[sflag:s31] =	ssyncadd.s32 $0xFFFFF000  }
0x1f6: {  	v0 =	vld [tilespmem:s7+$0x30]  }
0x1f7: {  	v1 =	vld [tilespmem:s7+$0xFFFFFFD0]  }
0x1f8: {  	v2 =	vld [tilespmem:s7+$0xFFFFFFE0]  }
0x1f9: {  	v3 =	vld [tilespmem:s7+$0xFFFFFFF0]  }
0x1fa: {  	v4 =	vld [tilespmem:s7+$0x0]  }
0x1fb: {  	v5 =	vld [tilespmem:s7+$0x10]  }
0x1fc: {  	v6 =	vld [tilespmem:s7+$0xFFFFFFC0]  }
0x1fd: {  	v7 =	vld [tilespmem:s7+$0x20]  }
0x1fe: {  	v0 =	vld.idx.msk [tilespmem:v0+s3+$0x0], $0xffff  }
0x1ff: {  	v1 =	vld.idx.msk [tilespmem:v1+s3+$0x0], $0xffff  }
0x200: {  	v2 =	vld.idx.msk [tilespmem:v2+s3+$0x0], $0xffff  }
0x201: {  	v3 =	vld.idx.msk [tilespmem:v3+s3+$0x0], $0xffff  }
0x202: {  	v4 =	vld.idx.msk [tilespmem:v4+s3+$0x0], $0xffff  }
0x203: {  	v0 =	vsub.f32 $0.0e+00, v0  }
0x204: {  	v1 =	vsub.f32 $0.0e+00, v1  }
0x205: {  	v5 =	vld.idx.msk [tilespmem:v5+s3+$0x0], $0xffff;
	v2 =	vsub.f32 $0.0e+00, v2;
	v0 =	vmul.f32 $1.442695020e+00, v0  }
0x206: {  	v6 =	vld.idx.msk [tilespmem:v6+s3+$0x0], $0xffff;
	v3 =	vsub.f32 $0.0e+00, v3;
	v1 =	vmul.f32 $1.442695020e+00, v1  }
0x207: {  	v7 =	vld.idx.msk [tilespmem:v7+s3+$0x0], $0xffff;
	v2 =	vmul.f32 $1.442695020e+00, v2;
	(erf) = vpow2.f32 v0;
	v0 =	vsub.f32 $0.0e+00, v4  }
0x208: {  	s8 =	simm.s32 $0x187C0;
	(erf) = vpow2.f32 v1;
	v1 =	vmul.f32 $1.442695020e+00, v3  }
0x209: {  	v9 =	vld [tilespmem:s8+$0x20];
	(erf) = vpow2.f32 v2;
	v0 =	vmul.f32 $1.442695020e+00, v0  }
0x20a: {  	v3 =	vsub.f32 $0.0e+00, v5;
	(erf) = vpow2.f32 v1  }
0x20b: {  	v2 =	vsub.f32 $0.0e+00, v6;
	(erf) = vpow2.f32 v0  }
0x20c: {  	v4 =	vsub.f32 $0.0e+00, v7;
	v3 =	vmul.f32 $1.442695020e+00, v3  }
0x20d: {  	v1 =	vmul.f32 $1.442695020e+00, v2  }
0x20e: {  	v0 =	vld [tilespmem:s8+$0x30];
	v2 =	vmul.f32 $1.442695020e+00, v4;
	(erf) = vpow2.f32 v3  }
0x20f: {  	v3 =	vld [tilespmem:s8+$0xFFFFFFD0];
	(erf) = vpow2.f32 v1  }
0x210: {  	v1 =	vld [tilespmem:s8+$0xFFFFFFE0];
	(erf) = vpow2.f32 v2;
	v4 =	vpop (erf)  }
0x211: {  	v15 =	vld.idx.msk [tilespmem:v9+s3+$0x0], $0xffff;
	v4 =	vadd.f32 $1.000000000e+00, v4;
	v6 =	vpop (erf)  }
0x212: {  	v2 =	vld [tilespmem:s8+$0xFFFFFFF0];
	v6 =	vadd.f32 $1.000000000e+00, v6;
	v8 =	vpop (erf)  }
0x213: {  	v7 =	vld [tilespmem:s8+$0x10];
	v8 =	vadd.f32 $1.000000000e+00, v8;
	(erf) = vrcp.f32 v4;
	v10 =	vpop (erf)  }
0x214: {  	v5 =	vld [tilespmem:s8+$0x0];
	(erf) = vrcp.f32 v6;
	v6 =	vadd.f32 $1.000000000e+00, v10;
	v10 =	vpop (erf)  }
0x215: {  	v4 =	vld [tilespmem:s8+$0xFFFFFFC0];
	(erf) = vrcp.f32 v8;
	v8 =	vadd.f32 $1.000000000e+00, v10  }
0x216: {  	v0 =	vld.idx.msk [tilespmem:v0+s3+$0x0], $0xffff  }
0x217: {  	v3 =	vld.idx.msk [tilespmem:v3+s3+$0x0], $0xffff;
	v10 =	vpop (erf)  }
0x218: {  	s6 =	simm.s32 $0x1CB40;
	v1 =	vld.idx.msk [tilespmem:v1+s3+$0x0], $0xffff;
	v10 =	vadd.f32 $1.000000000e+00, v10;
	v11 =	vpop (erf);
	(erf) = vrcp.f32 v6  }
0x219: {  	v6 =	vadd.f32 $1.000000000e+00, v11;
	v11 =	vld [tilespmem:s6+$0x30];
	(erf) = vrcp.f32 v8;
	v8 =	vpop (erf)  }
0x21a: {  	v12 =	vld.idx.msk [tilespmem:v2+s3+$0x0], $0xffff;
	(erf) = vrcp.f32 v10;
	v2 =	vadd.f32 $1.000000000e+00, v8  }
0x21b: {  	v7 =	vld.idx.msk [tilespmem:v7+s3+$0x0], $0xffff;
	v0 =	vsub.f32 $0.0e+00, v0;
	(erf) = vrcp.f32 v6  }
0x21c: {  	v3 =	vsub.f32 $0.0e+00, v3;
	v8 =	vld.idx.msk [tilespmem:v5+s3+$0x0], $0xffff;
	(erf) = vrcp.f32 v2  }
0x21d: {  	v9 =	vmul.f32 $1.442695020e+00, v0;
	v10 =	vld.idx.msk [tilespmem:v4+s3+$0x0], $0xffff;
	v4 =	vpop (erf)  }
0x21e: {  	v6 =	vsub.f32 $0.0e+00, v1;
	v11 =	vmul.f32 v4, v11;
	v4 =	vmul.f32 $1.442695020e+00, v3  }
0x21f: {  	v5 =	vld [tilespmem:s6+$0xFFFFFFD0];
	v12 =	vsub.f32 $0.0e+00, v12;
	v1 =	vpop (erf)  }
0x220: {  	v2 =	vld [tilespmem:s6+$0xFFFFFFC0];
	v13 =	vmul.f32 $1.442695020e+00, v6;
	(erf) = vpow2.f32 v9;
	v0 =	vpop (erf)  }
0x221: {  	v6 =	vld [tilespmem:s6+$0xFFFFFFE0];
	v12 =	vmul.f32 $1.442695020e+00, v12;
	v9 =	vsub.f32 $0.0e+00, v8;
	v3 =	vpop (erf);
	(erf) = vpow2.f32 v4  }
0x222: {  	v14 =	vsub.f32 $0.0e+00, v7;
	v8 =	vld [tilespmem:s6+$0xFFFFFFF0];
	(erf) = vpow2.f32 v13;
	v4 =	vpop (erf)  }
0x223: {  	[tilespmem:s6+$0x30] =	vst v11;
	v11 =	vld [tilespmem:s6+$0x20];
	v16 =	vsub.f32 $0.0e+00, v10;
	v17 =	vmul.f32 $1.442695020e+00, v9;
	v7 =	vpop (erf)  }
0x224: {  	v15 =	vsub.f32 $0.0e+00, v15;
	v14 =	vmul.f32 $1.442695020e+00, v14;
	v10 =	vld [tilespmem:s6+$0x10];
	(erf) = vpow2.f32 v12;
	v13 =	vpop (erf)  }
0x225: {  	s7 =	simm.s32 $0x8;
	s8 =	simm.s32 $0x18840;
	v9 =	vld [tilespmem:s6+$0x0];
	v16 =	vmul.f32 $1.442695020e+00, v16;
	(erf) = vpow2.f32 v17;
	v12 =	vpop (erf)  }
.LBB2_10:
0x226: {  	v17 =	vld [tilespmem:s8+$0x30];
	s7 =	sadd.s32 $0x8, s7;
	v18 =	vmul.f32 $1.442695020e+00, v15;
	(erf) = vpow2.f32 v14  }
0x227: {  	v2 =	vmul.f32 v13, v2;
	v14 =	vld [tilespmem:s8+$0xFFFFFFD0];
	p0 =	slt.u32 s7, $0xF8;
	(erf) = vpow2.f32 v16  }
0x228: {  	v1 =	vmul.f32 v1, v5;
	v13 =	vld [tilespmem:s8+$0xFFFFFFE0];
	(erf) = vpow2.f32 v18  }
0x229: {  	v0 =	vmul.f32 v0, v6;
	v5 =	vld [tilespmem:s8+$0xFFFFFFF0];
	v15 =	vpop (erf);
	[tilespmem:s6+$0xFFFFFFC0] =	vst v2;
	v2 =	vmul.f32 v3, v8  }
0x22a: {  	v3 =	vld [tilespmem:s8+$0x0];
	v15 =	vadd.f32 $1.000000000e+00, v15;
	v8 =	vpop (erf);
	[tilespmem:s6+$0xFFFFFFD0] =	vst v1;
	v1 =	vmul.f32 v4, v9;
	v4 =	vmul.f32 v7, v10  }
0x22b: {  	v7 =	vld [tilespmem:s8+$0x10];
	v16 =	vadd.f32 $1.000000000e+00, v8;
	v9 =	vpop (erf);
	[tilespmem:s6+$0xFFFFFFE0] =	vst v0;
	v0 =	vmul.f32 v12, v11  }
0x22c: {  	v10 =	vld [tilespmem:s8+$0x20];
	v11 =	vadd.f32 $1.000000000e+00, v9;
	(erf) = vrcp.f32 v15;
	[tilespmem:s6+$0xFFFFFFF0] =	vst v2  }
0x22d: {  	v2 =	vld [tilespmem:s8+$0xFFFFFFC0];
	(erf) = vrcp.f32 v16;
	v6 =	vpop (erf);
	[tilespmem:s6+$0x0] =	vst v1  }
0x22e: {  	v1 =	vld.idx.msk [tilespmem:v17+s3+$0x0], $0xffff;
	v6 =	vadd.f32 $1.000000000e+00, v6;
	(erf) = vrcp.f32 v11;
	v8 =	vpop (erf);
	[tilespmem:s6+$0x10] =	vst v4  }
0x22f: {  	v4 =	vld.idx.msk [tilespmem:v14+s3+$0x0], $0xffff;
	v12 =	vadd.f32 $1.000000000e+00, v8;
	v9 =	vpop (erf);
	[tilespmem:s6+$0x20] =	vst v0  }
0x230: {  	s6 =	sadd.s32 $0x80, s6;
	v0 =	vld.idx.msk [tilespmem:v13+s3+$0x0], $0xffff;
	v9 =	vadd.f32 $1.000000000e+00, v9;
	v11 =	vpop (erf);
	(erf) = vrcp.f32 v6  }
0x231: {  	v6 =	vadd.f32 $1.000000000e+00, v11;
	v11 =	vld [tilespmem:s6+$0x30];
	(erf) = vrcp.f32 v12;
	v8 =	vpop (erf)  }
0x232: {  	v5 =	vld.idx.msk [tilespmem:v5+s3+$0x0], $0xffff;
	v8 =	vadd.f32 $1.000000000e+00, v8;
	(erf) = vrcp.f32 v9  }
0x233: {  	v3 =	vld.idx.msk [tilespmem:v3+s3+$0x0], $0xffff;
	(erf) = vrcp.f32 v6  }
0x234: {  	v12 =	vsub.f32 $0.0e+00, v1;
	v7 =	vld.idx.msk [tilespmem:v7+s3+$0x0], $0xffff;
	(erf) = vrcp.f32 v8  }
0x235: {  	v9 =	vld.idx.msk [tilespmem:v2+s3+$0x0], $0xffff;
	v2 =	vsub.f32 $0.0e+00, v4;
	v4 =	vpop (erf)  }
0x236: {  	v6 =	vsub.f32 $0.0e+00, v0;
	v8 =	vmul.f32 $1.442695020e+00, v12;
	v10 =	vld.idx.msk [tilespmem:v10+s3+$0x0], $0xffff;
	v4 =	vmul.f32 v4, v11;
	v1 =	vpop (erf)  }
0x237: {  	v11 =	vmul.f32 $1.442695020e+00, v2;
	v2 =	vld [tilespmem:s6+$0xFFFFFFC0];
	v0 =	vpop (erf)  }
0x238: {  	v12 =	vmul.f32 $1.442695020e+00, v6;
	v13 =	vsub.f32 $0.0e+00, v5;
	(erf) = vpow2.f32 v8;
	v5 =	vld [tilespmem:s6+$0xFFFFFFD0];
	[tilespmem:s6+$0x30] =	vst v4  }
.Ltmp4:
0x239: {  	v14 =	vsub.f32 $0.0e+00, v3;
	(erf) = vpow2.f32 v11;
	v6 =	vld [tilespmem:s6+$0xFFFFFFE0];
	v3 =	vpop (erf);
	(pc) =	sbr.rel @p0 .LBB2_10-.Ltmp4, $4  }
0x23a: {  	v11 =	vmul.f32 $1.442695020e+00, v13;
	v16 =	vsub.f32 $0.0e+00, v7;
	(erf) = vpow2.f32 v12;
	v8 =	vld [tilespmem:s6+$0xFFFFFFF0];
	v4 =	vpop (erf)  }
0x23b: {  	v18 =	vsub.f32 $0.0e+00, v9;
	v17 =	vmul.f32 $1.442695020e+00, v14;
	v9 =	vld [tilespmem:s6+$0x0];
	v7 =	vpop (erf)  }
0x23c: {  	v14 =	vmul.f32 $1.442695020e+00, v16;
	v15 =	vsub.f32 $0.0e+00, v10;
	(erf) = vpow2.f32 v11;
	v10 =	vld [tilespmem:s6+$0x10];
	v13 =	vpop (erf)  }
0x23d: {  	s8 =	sadd.s32 $0x80, s8;
	v16 =	vmul.f32 $1.442695020e+00, v18;
	(erf) = vpow2.f32 v17;
	v11 =	vld [tilespmem:s6+$0x20];
	v12 =	vpop (erf)  }
0x23e: {  	_ =	sdelay $0x2  }
0x23f: {  	(erf) = vpow2.f32 v14;
	v14 =	vmul.f32 $1.442695020e+00, v15;
	v15 =	vpop (erf)  }
0x240: {  	(erf) = vpow2.f32 v16;
	v15 =	vadd.f32 $1.000000000e+00, v15;
	_ =	sdelay $0x1  }
0x241: {  	v16 =	vpop (erf)  }
0x242: {  	(erf) = vpow2.f32 v14;
	v14 =	vadd.f32 $1.000000000e+00, v16;
	v16 =	vpop (erf)  }
0x243: {  	v16 =	vadd.f32 $1.000000000e+00, v16;
	(erf) = vrcp.f32 v15;
	v15 =	vpop (erf)  }
0x244: {  	(erf) = vrcp.f32 v14;
	v14 =	vadd.f32 $1.000000000e+00, v15;
	_ =	sdelay $0x1  }
0x245: {  	v15 =	vpop (erf)  }
0x246: {  	(erf) = vrcp.f32 v16;
	v15 =	vadd.f32 $1.000000000e+00, v15;
	v16 =	vpop (erf)  }
0x247: {  	v16 =	vadd.f32 $1.000000000e+00, v16;
	(erf) = vrcp.f32 v14;
	v14 =	vpop (erf)  }
0x248: {  	(erf) = vrcp.f32 v15;
	v14 =	vadd.f32 $1.000000000e+00, v14  }
0x249: {  	(erf) = vrcp.f32 v16  }
0x24a: {  	(erf) = vrcp.f32 v14  }
0x24b: {  	v2 =	vmul.f32 v13, v2;
	v13 =	vpop (erf)  }
0x24c: {  	s7 =	sadd.s32 $0x80, s6;
	v0 =	vmul.f32 v0, v6;
	v6 =	vadd.f32 $1.000000000e+00, v13  }
0x24d: {  	v1 =	vmul.f32 v1, v5;
	[tilespmem:s6+$0xFFFFFFC0] =	vst v2;
	v2 =	vld [tilespmem:s7+$0x30];
	v5 =	vpop (erf)  }
0x24e: {  	v13 =	vpop (erf)  }
0x24f: {  	v3 =	vmul.f32 v3, v8;
	[tilespmem:s6+$0xFFFFFFD0] =	vst v1;
	v1 =	vld [tilespmem:s7+$0xFFFFFFC0];
	v7 =	vmul.f32 v7, v10;
	v8 =	vpop (erf)  }
0x250: {  	v4 =	vmul.f32 v4, v9;
	[tilespmem:s6+$0xFFFFFFE0] =	vst v0;
	v0 =	vld [tilespmem:s7+$0xFFFFFFD0];
	(erf) = vrcp.f32 v6;
	v6 =	vpop (erf)  }
0x251: {  	[tilespmem:s6+$0xFFFFFFF0] =	vst v3;
	v3 =	vld [tilespmem:s7+$0xFFFFFFE0];
	v9 =	vpop (erf)  }
0x252: {  	v10 =	vmul.f32 v12, v11;
	[tilespmem:s6+$0x0] =	vst v4;
	v2 =	vmul.f32 v5, v2;
	v5 =	vld [tilespmem:s7+$0x0];
	v11 =	vpop (erf)  }
0x253: {  	[tilespmem:s6+$0x10] =	vst v7;
	v7 =	vpop (erf)  }
0x254: {  	v4 =	vld [tilespmem:s7+$0xFFFFFFF0];
	[tilespmem:s6+$0x20] =	vst v10;
	v1 =	vmul.f32 v7, v1  }
0x255: {  	v10 =	vld [tilespmem:s7+$0x10];
	v0 =	vmul.f32 v13, v0;
	[tilespmem:s7+$0x30] =	vst v2  }
0x256: {  	v2 =	vld [tilespmem:s7+$0x20];
	[tilespmem:s7+$0xFFFFFFC0] =	vst v1;
	v1 =	vmul.f32 v8, v3  }
0x257: {  	[tilespmem:s7+$0xFFFFFFD0] =	vst v0;
	v0 =	vmul.f32 v9, v5;
	_ =	sdelay $0x1  }
0x258: {  	[tilespmem:s7+$0x0] =	vst v0;
	v3 =	vmul.f32 v6, v4  }
0x259: {  	v4 =	vmul.f32 v11, v10;
	[tilespmem:s7+$0xFFFFFFE0] =	vst v1;
	v1 =	vpop (erf)  }
0x25a: {  	[tilespmem:s7+$0xFFFFFFF0] =	vst v3;
	v1 =	vmul.f32 v1, v2  }
0x25b: {  	[tilespmem:s7+$0x10] =	vst v4  }
0x25c: {  	[tilespmem:s7+$0x20] =	vst v1  }
0x25d: {  	[hbm4b:s17+s26] =	stream.strided.scatter [tilespmem:s29], [sflag:$0x4], $0x1000, s28, s26, $0x38;
	[tilespmem:$0x1EB00] =	vst v63  }
0x25e: {  	_ =	swait.ge [sflag:s1], $0x1000  }
0x25f: {  	[sflag:s1] =	ssyncset.done $0x0  }
0x260: {  	[sflag:s1] =	ssyncadd.s32 $0xFFFFF000  }
0x261: {  	[tilespmem:s29], [sflag:$0x3] =	stream.strided.gather [hbm4b:s18+s26], $0x1000, s28, s26, $0x38;
	[tilespmem:$0x1EB00] =	vst v63  }
0x262: {  	_ =	swait.ge [sflag:s31], $0x1000  }
0x263: {  	[sflag:s31] =	ssyncset.done $0x0  }
0x264: {  	s7 =	simm.s32 $0x19770;
	[sflag:s31] =	ssyncadd.s32 $0xFFFFF000  }
0x265: {  	v0 =	vld [tilespmem:s7+$0x0]  }
0x266: {  	v1 =	vld [tilespmem:s7+$0xFFFFFFA0]  }
0x267: {  	v2 =	vld [tilespmem:s7+$0xFFFFFFB0]  }
0x268: {  	v3 =	vld [tilespmem:s7+$0xFFFFFFC0]  }
0x269: {  	v4 =	vld [tilespmem:s7+$0xFFFFFFD0]  }
0x26a: {  	v5 =	vld [tilespmem:s7+$0xFFFFFFE0]  }
0x26b: {  	v6 =	vld [tilespmem:s7+$0xFFFFFF90]  }
0x26c: {  	v7 =	vld [tilespmem:s7+$0xFFFFFFF0]  }
0x26d: {  	v0 =	vld.idx.msk [tilespmem:v0+s3+$0x0], $0xffff  }
0x26e: {  	v1 =	vld.idx.msk [tilespmem:v1+s3+$0x0], $0xffff  }
0x26f: {  	v2 =	vld.idx.msk [tilespmem:v2+s3+$0x0], $0xffff  }
0x270: {  	v3 =	vld.idx.msk [tilespmem:v3+s3+$0x0], $0xffff  }
0x271: {  	v4 =	vld.idx.msk [tilespmem:v4+s3+$0x0], $0xffff  }
0x272: {  	v0 =	vsub.f32 $0.0e+00, v0  }
0x273: {  	v1 =	vsub.f32 $0.0e+00, v1  }
0x274: {  	v5 =	vld.idx.msk [tilespmem:v5+s3+$0x0], $0xffff;
	v2 =	vsub.f32 $0.0e+00, v2;
	v0 =	vmul.f32 $1.442695020e+00, v0  }
0x275: {  	v6 =	vld.idx.msk [tilespmem:v6+s3+$0x0], $0xffff;
	v3 =	vsub.f32 $0.0e+00, v3;
	v1 =	vmul.f32 $1.442695020e+00, v1  }
0x276: {  	v7 =	vld.idx.msk [tilespmem:v7+s3+$0x0], $0xffff;
	v2 =	vmul.f32 $1.442695020e+00, v2;
	(erf) = vpow2.f32 v0;
	v0 =	vsub.f32 $0.0e+00, v4  }
0x277: {  	s8 =	simm.s32 $0x197F0;
	(erf) = vpow2.f32 v1;
	v1 =	vmul.f32 $1.442695020e+00, v3  }
0x278: {  	v9 =	vld [tilespmem:s8+$0xFFFFFFF0];
	(erf) = vpow2.f32 v2;
	v0 =	vmul.f32 $1.442695020e+00, v0  }
0x279: {  	v3 =	vsub.f32 $0.0e+00, v5;
	(erf) = vpow2.f32 v1  }
0x27a: {  	v2 =	vsub.f32 $0.0e+00, v6;
	(erf) = vpow2.f32 v0  }
0x27b: {  	v4 =	vsub.f32 $0.0e+00, v7;
	v3 =	vmul.f32 $1.442695020e+00, v3  }
0x27c: {  	v1 =	vmul.f32 $1.442695020e+00, v2  }
0x27d: {  	v0 =	vld [tilespmem:s8+$0x0];
	v2 =	vmul.f32 $1.442695020e+00, v4;
	(erf) = vpow2.f32 v3  }
0x27e: {  	v3 =	vld [tilespmem:s8+$0xFFFFFFA0];
	(erf) = vpow2.f32 v1  }
0x27f: {  	v1 =	vld [tilespmem:s8+$0xFFFFFFB0];
	(erf) = vpow2.f32 v2;
	v4 =	vpop (erf)  }
0x280: {  	v15 =	vld.idx.msk [tilespmem:v9+s3+$0x0], $0xffff;
	v4 =	vadd.f32 $1.000000000e+00, v4;
	v6 =	vpop (erf)  }
0x281: {  	v2 =	vld [tilespmem:s8+$0xFFFFFFC0];
	v6 =	vadd.f32 $1.000000000e+00, v6;
	v8 =	vpop (erf)  }
0x282: {  	v7 =	vld [tilespmem:s8+$0xFFFFFFE0];
	v8 =	vadd.f32 $1.000000000e+00, v8;
	(erf) = vrcp.f32 v4;
	v10 =	vpop (erf)  }
0x283: {  	v5 =	vld [tilespmem:s8+$0xFFFFFFD0];
	(erf) = vrcp.f32 v6;
	v6 =	vadd.f32 $1.000000000e+00, v10;
	v10 =	vpop (erf)  }
0x284: {  	v4 =	vld [tilespmem:s8+$0xFFFFFF90];
	(erf) = vrcp.f32 v8;
	v8 =	vadd.f32 $1.000000000e+00, v10  }
0x285: {  	v0 =	vld.idx.msk [tilespmem:v0+s3+$0x0], $0xffff  }
0x286: {  	v3 =	vld.idx.msk [tilespmem:v3+s3+$0x0], $0xffff;
	v10 =	vpop (erf)  }
0x287: {  	s6 =	simm.s32 $0x1DB40;
	v1 =	vld.idx.msk [tilespmem:v1+s3+$0x0], $0xffff;
	v10 =	vadd.f32 $1.000000000e+00, v10;
	v11 =	vpop (erf);
	(erf) = vrcp.f32 v6  }
0x288: {  	v6 =	vadd.f32 $1.000000000e+00, v11;
	v11 =	vld [tilespmem:s6+$0x30];
	(erf) = vrcp.f32 v8;
	v8 =	vpop (erf)  }
0x289: {  	v12 =	vld.idx.msk [tilespmem:v2+s3+$0x0], $0xffff;
	(erf) = vrcp.f32 v10;
	v2 =	vadd.f32 $1.000000000e+00, v8  }
0x28a: {  	v7 =	vld.idx.msk [tilespmem:v7+s3+$0x0], $0xffff;
	v0 =	vsub.f32 $0.0e+00, v0;
	(erf) = vrcp.f32 v6  }
0x28b: {  	v3 =	vsub.f32 $0.0e+00, v3;
	v8 =	vld.idx.msk [tilespmem:v5+s3+$0x0], $0xffff;
	(erf) = vrcp.f32 v2  }
0x28c: {  	v9 =	vmul.f32 $1.442695020e+00, v0;
	v10 =	vld.idx.msk [tilespmem:v4+s3+$0x0], $0xffff;
	v4 =	vpop (erf)  }
0x28d: {  	v6 =	vsub.f32 $0.0e+00, v1;
	v11 =	vmul.f32 v4, v11;
	v4 =	vmul.f32 $1.442695020e+00, v3  }
0x28e: {  	v5 =	vld [tilespmem:s6+$0xFFFFFFD0];
	v12 =	vsub.f32 $0.0e+00, v12;
	v1 =	vpop (erf)  }
0x28f: {  	v2 =	vld [tilespmem:s6+$0xFFFFFFC0];
	v13 =	vmul.f32 $1.442695020e+00, v6;
	(erf) = vpow2.f32 v9;
	v0 =	vpop (erf)  }
0x290: {  	v6 =	vld [tilespmem:s6+$0xFFFFFFE0];
	v12 =	vmul.f32 $1.442695020e+00, v12;
	v9 =	vsub.f32 $0.0e+00, v8;
	v3 =	vpop (erf);
	(erf) = vpow2.f32 v4  }
0x291: {  	v14 =	vsub.f32 $0.0e+00, v7;
	v8 =	vld [tilespmem:s6+$0xFFFFFFF0];
	(erf) = vpow2.f32 v13;
	v4 =	vpop (erf)  }
0x292: {  	[tilespmem:s6+$0x30] =	vst v11;
	v11 =	vld [tilespmem:s6+$0x20];
	v16 =	vsub.f32 $0.0e+00, v10;
	v17 =	vmul.f32 $1.442695020e+00, v9;
	v7 =	vpop (erf)  }
0x293: {  	v15 =	vsub.f32 $0.0e+00, v15;
	v14 =	vmul.f32 $1.442695020e+00, v14;
	v10 =	vld [tilespmem:s6+$0x10];
	(erf) = vpow2.f32 v12;
	v13 =	vpop (erf)  }
0x294: {  	s7 =	simm.s32 $0x8;
	s8 =	simm.s32 $0x19870;
	v9 =	vld [tilespmem:s6+$0x0];
	v16 =	vmul.f32 $1.442695020e+00, v16;
	(erf) = vpow2.f32 v17;
	v12 =	vpop (erf)  }
.LBB2_12:
0x295: {  	v17 =	vld [tilespmem:s8+$0x0];
	s7 =	sadd.s32 $0x8, s7;
	v18 =	vmul.f32 $1.442695020e+00, v15;
	(erf) = vpow2.f32 v14  }
0x296: {  	v2 =	vmul.f32 v13, v2;
	v14 =	vld [tilespmem:s8+$0xFFFFFFA0];
	p0 =	slt.u32 s7, $0xF8;
	(erf) = vpow2.f32 v16  }
0x297: {  	v1 =	vmul.f32 v1, v5;
	v13 =	vld [tilespmem:s8+$0xFFFFFFB0];
	(erf) = vpow2.f32 v18  }
0x298: {  	v0 =	vmul.f32 v0, v6;
	v5 =	vld [tilespmem:s8+$0xFFFFFFC0];
	v15 =	vpop (erf);
	[tilespmem:s6+$0xFFFFFFC0] =	vst v2;
	v2 =	vmul.f32 v3, v8  }
0x299: {  	v3 =	vld [tilespmem:s8+$0xFFFFFFD0];
	v15 =	vadd.f32 $1.000000000e+00, v15;
	v8 =	vpop (erf);
	[tilespmem:s6+$0xFFFFFFD0] =	vst v1;
	v1 =	vmul.f32 v4, v9;
	v4 =	vmul.f32 v7, v10  }
0x29a: {  	v7 =	vld [tilespmem:s8+$0xFFFFFFE0];
	v16 =	vadd.f32 $1.000000000e+00, v8;
	v9 =	vpop (erf);
	[tilespmem:s6+$0xFFFFFFE0] =	vst v0;
	v0 =	vmul.f32 v12, v11  }
0x29b: {  	v10 =	vld [tilespmem:s8+$0xFFFFFFF0];
	v11 =	vadd.f32 $1.000000000e+00, v9;
	(erf) = vrcp.f32 v15;
	[tilespmem:s6+$0xFFFFFFF0] =	vst v2  }
0x29c: {  	v2 =	vld [tilespmem:s8+$0xFFFFFF90];
	(erf) = vrcp.f32 v16;
	v6 =	vpop (erf);
	[tilespmem:s6+$0x0] =	vst v1  }
0x29d: {  	v1 =	vld.idx.msk [tilespmem:v17+s3+$0x0], $0xffff;
	v6 =	vadd.f32 $1.000000000e+00, v6;
	(erf) = vrcp.f32 v11;
	v8 =	vpop (erf);
	[tilespmem:s6+$0x10] =	vst v4  }
0x29e: {  	v4 =	vld.idx.msk [tilespmem:v14+s3+$0x0], $0xffff;
	v12 =	vadd.f32 $1.000000000e+00, v8;
	v9 =	vpop (erf);
	[tilespmem:s6+$0x20] =	vst v0  }
0x29f: {  	s6 =	sadd.s32 $0x80, s6;
	v0 =	vld.idx.msk [tilespmem:v13+s3+$0x0], $0xffff;
	v9 =	vadd.f32 $1.000000000e+00, v9;
	v11 =	vpop (erf);
	(erf) = vrcp.f32 v6  }
0x2a0: {  	v6 =	vadd.f32 $1.000000000e+00, v11;
	v11 =	vld [tilespmem:s6+$0x30];
	(erf) = vrcp.f32 v12;
	v8 =	vpop (erf)  }
0x2a1: {  	v5 =	vld.idx.msk [tilespmem:v5+s3+$0x0], $0xffff;
	v8 =	vadd.f32 $1.000000000e+00, v8;
	(erf) = vrcp.f32 v9  }
0x2a2: {  	v3 =	vld.idx.msk [tilespmem:v3+s3+$0x0], $0xffff;
	(erf) = vrcp.f32 v6  }
0x2a3: {  	v12 =	vsub.f32 $0.0e+00, v1;
	v7 =	vld.idx.msk [tilespmem:v7+s3+$0x0], $0xffff;
	(erf) = vrcp.f32 v8  }
0x2a4: {  	v9 =	vld.idx.msk [tilespmem:v2+s3+$0x0], $0xffff;
	v2 =	vsub.f32 $0.0e+00, v4;
	v4 =	vpop (erf)  }
0x2a5: {  	v6 =	vsub.f32 $0.0e+00, v0;
	v8 =	vmul.f32 $1.442695020e+00, v12;
	v10 =	vld.idx.msk [tilespmem:v10+s3+$0x0], $0xffff;
	v4 =	vmul.f32 v4, v11;
	v1 =	vpop (erf)  }
0x2a6: {  	v11 =	vmul.f32 $1.442695020e+00, v2;
	v2 =	vld [tilespmem:s6+$0xFFFFFFC0];
	v0 =	vpop (erf)  }
0x2a7: {  	v12 =	vmul.f32 $1.442695020e+00, v6;
	v13 =	vsub.f32 $0.0e+00, v5;
	(erf) = vpow2.f32 v8;
	v5 =	vld [tilespmem:s6+$0xFFFFFFD0];
	[tilespmem:s6+$0x30] =	vst v4  }
.Ltmp5:
0x2a8: {  	v14 =	vsub.f32 $0.0e+00, v3;
	(erf) = vpow2.f32 v11;
	v6 =	vld [tilespmem:s6+$0xFFFFFFE0];
	v3 =	vpop (erf);
	(pc) =	sbr.rel @p0 .LBB2_12-.Ltmp5, $4  }
0x2a9: {  	v11 =	vmul.f32 $1.442695020e+00, v13;
	v16 =	vsub.f32 $0.0e+00, v7;
	(erf) = vpow2.f32 v12;
	v8 =	vld [tilespmem:s6+$0xFFFFFFF0];
	v4 =	vpop (erf)  }
0x2aa: {  	v18 =	vsub.f32 $0.0e+00, v9;
	v17 =	vmul.f32 $1.442695020e+00, v14;
	v9 =	vld [tilespmem:s6+$0x0];
	v7 =	vpop (erf)  }
0x2ab: {  	v14 =	vmul.f32 $1.442695020e+00, v16;
	v15 =	vsub.f32 $0.0e+00, v10;
	(erf) = vpow2.f32 v11;
	v10 =	vld [tilespmem:s6+$0x10];
	v13 =	vpop (erf)  }
0x2ac: {  	s8 =	sadd.s32 $0x80, s8;
	v16 =	vmul.f32 $1.442695020e+00, v18;
	(erf) = vpow2.f32 v17;
	v11 =	vld [tilespmem:s6+$0x20];
	v12 =	vpop (erf)  }
0x2ad: {  	_ =	sdelay $0x2  }
0x2ae: {  	(erf) = vpow2.f32 v14;
	v14 =	vmul.f32 $1.442695020e+00, v15;
	v15 =	vpop (erf)  }
0x2af: {  	(erf) = vpow2.f32 v16;
	v15 =	vadd.f32 $1.000000000e+00, v15;
	_ =	sdelay $0x1  }
0x2b0: {  	v16 =	vpop (erf)  }
0x2b1: {  	(erf) = vpow2.f32 v14;
	v14 =	vadd.f32 $1.000000000e+00, v16;
	v16 =	vpop (erf)  }
0x2b2: {  	v16 =	vadd.f32 $1.000000000e+00, v16;
	(erf) = vrcp.f32 v15;
	v15 =	vpop (erf)  }
0x2b3: {  	(erf) = vrcp.f32 v14;
	v14 =	vadd.f32 $1.000000000e+00, v15;
	_ =	sdelay $0x1  }
0x2b4: {  	v15 =	vpop (erf)  }
0x2b5: {  	(erf) = vrcp.f32 v16;
	v15 =	vadd.f32 $1.000000000e+00, v15;
	v16 =	vpop (erf)  }
0x2b6: {  	v16 =	vadd.f32 $1.000000000e+00, v16;
	(erf) = vrcp.f32 v14;
	v14 =	vpop (erf)  }
0x2b7: {  	(erf) = vrcp.f32 v15;
	v14 =	vadd.f32 $1.000000000e+00, v14  }
0x2b8: {  	(erf) = vrcp.f32 v16  }
0x2b9: {  	(erf) = vrcp.f32 v14  }
0x2ba: {  	v2 =	vmul.f32 v13, v2;
	v13 =	vpop (erf)  }
0x2bb: {  	s7 =	sadd.s32 $0x80, s6;
	v0 =	vmul.f32 v0, v6;
	v6 =	vadd.f32 $1.000000000e+00, v13  }
0x2bc: {  	v1 =	vmul.f32 v1, v5;
	[tilespmem:s6+$0xFFFFFFC0] =	vst v2;
	v2 =	vld [tilespmem:s7+$0x30];
	v5 =	vpop (erf)  }
0x2bd: {  	v13 =	vpop (erf)  }
0x2be: {  	v3 =	vmul.f32 v3, v8;
	[tilespmem:s6+$0xFFFFFFD0] =	vst v1;
	v1 =	vld [tilespmem:s7+$0xFFFFFFC0];
	v7 =	vmul.f32 v7, v10;
	v8 =	vpop (erf)  }
0x2bf: {  	v4 =	vmul.f32 v4, v9;
	[tilespmem:s6+$0xFFFFFFE0] =	vst v0;
	v0 =	vld [tilespmem:s7+$0xFFFFFFD0];
	(erf) = vrcp.f32 v6;
	v6 =	vpop (erf)  }
0x2c0: {  	[tilespmem:s6+$0xFFFFFFF0] =	vst v3;
	v3 =	vld [tilespmem:s7+$0xFFFFFFE0];
	v9 =	vpop (erf)  }
0x2c1: {  	v10 =	vmul.f32 v12, v11;
	[tilespmem:s6+$0x0] =	vst v4;
	v2 =	vmul.f32 v5, v2;
	v5 =	vld [tilespmem:s7+$0x0];
	v11 =	vpop (erf)  }
0x2c2: {  	[tilespmem:s6+$0x10] =	vst v7;
	v7 =	vpop (erf)  }
0x2c3: {  	v4 =	vld [tilespmem:s7+$0xFFFFFFF0];
	[tilespmem:s6+$0x20] =	vst v10;
	v1 =	vmul.f32 v7, v1  }
0x2c4: {  	v10 =	vld [tilespmem:s7+$0x10];
	v0 =	vmul.f32 v13, v0;
	[tilespmem:s7+$0x30] =	vst v2  }
0x2c5: {  	v2 =	vld [tilespmem:s7+$0x20];
	[tilespmem:s7+$0xFFFFFFC0] =	vst v1;
	v1 =	vmul.f32 v8, v3  }
0x2c6: {  	[tilespmem:s7+$0xFFFFFFD0] =	vst v0;
	v0 =	vmul.f32 v9, v5;
	_ =	sdelay $0x1  }
0x2c7: {  	[tilespmem:s7+$0x0] =	vst v0;
	v3 =	vmul.f32 v6, v4  }
0x2c8: {  	v4 =	vmul.f32 v11, v10;
	[tilespmem:s7+$0xFFFFFFE0] =	vst v1;
	v1 =	vpop (erf)  }
0x2c9: {  	[tilespmem:s7+$0xFFFFFFF0] =	vst v3;
	v1 =	vmul.f32 v1, v2  }
0x2ca: {  	[tilespmem:s7+$0x10] =	vst v4  }
0x2cb: {  	[tilespmem:s7+$0x20] =	vst v1  }
0x2cc: {  	[hbm4b:s19+s26] =	stream.strided.scatter [tilespmem:s2], [sflag:$0x5], $0x1000, s28, s26, $0x38;
	[tilespmem:$0x1EB00] =	vst v63  }
0x2cd: {  	_ =	swait.ge [sflag:s4], $0x1000  }
0x2ce: {  	[sflag:s4] =	ssyncset.done $0x0  }
0x2cf: {  	[sflag:s4] =	ssyncadd.s32 $0xFFFFF000  }
0x2d0: {  	[tilespmem:s2], [sflag:$0x3] =	stream.strided.gather [hbm4b:s20+s26], $0x1000, s28, s26, $0x38;
	[tilespmem:$0x1EB00] =	vst v63  }
0x2d1: {  	_ =	swait.ge [sflag:s31], $0x1000  }
0x2d2: {  	[sflag:s31] =	ssyncset.done $0x0  }
0x2d3: {  	s7 =	simm.s32 $0x1A770;
	[sflag:s31] =	ssyncadd.s32 $0xFFFFF000  }
0x2d4: {  	v0 =	vld [tilespmem:s7+$0x0]  }
0x2d5: {  	v1 =	vld [tilespmem:s7+$0xFFFFFFA0]  }
0x2d6: {  	v2 =	vld [tilespmem:s7+$0xFFFFFFB0]  }
0x2d7: {  	v3 =	vld [tilespmem:s7+$0xFFFFFFC0]  }
0x2d8: {  	v4 =	vld [tilespmem:s7+$0xFFFFFFD0]  }
0x2d9: {  	v5 =	vld [tilespmem:s7+$0xFFFFFFE0]  }
0x2da: {  	v6 =	vld [tilespmem:s7+$0xFFFFFF90]  }
0x2db: {  	v7 =	vld [tilespmem:s7+$0xFFFFFFF0]  }
0x2dc: {  	v0 =	vld.idx.msk [tilespmem:v0+s3+$0x0], $0xffff  }
0x2dd: {  	v1 =	vld.idx.msk [tilespmem:v1+s3+$0x0], $0xffff  }
0x2de: {  	v2 =	vld.idx.msk [tilespmem:v2+s3+$0x0], $0xffff  }
0x2df: {  	v3 =	vld.idx.msk [tilespmem:v3+s3+$0x0], $0xffff  }
0x2e0: {  	v4 =	vld.idx.msk [tilespmem:v4+s3+$0x0], $0xffff  }
0x2e1: {  	v0 =	vsub.f32 $0.0e+00, v0  }
0x2e2: {  	v1 =	vsub.f32 $0.0e+00, v1  }
0x2e3: {  	v5 =	vld.idx.msk [tilespmem:v5+s3+$0x0], $0xffff;
	v2 =	vsub.f32 $0.0e+00, v2;
	v0 =	vmul.f32 $1.442695020e+00, v0  }
0x2e4: {  	v6 =	vld.idx.msk [tilespmem:v6+s3+$0x0], $0xffff;
	v3 =	vsub.f32 $0.0e+00, v3;
	v1 =	vmul.f32 $1.442695020e+00, v1  }
0x2e5: {  	v7 =	vld.idx.msk [tilespmem:v7+s3+$0x0], $0xffff;
	v2 =	vmul.f32 $1.442695020e+00, v2;
	(erf) = vpow2.f32 v0;
	v0 =	vsub.f32 $0.0e+00, v4  }
0x2e6: {  	s8 =	simm.s32 $0x1A7F0;
	(erf) = vpow2.f32 v1;
	v1 =	vmul.f32 $1.442695020e+00, v3  }
0x2e7: {  	v9 =	vld [tilespmem:s8+$0xFFFFFFF0];
	(erf) = vpow2.f32 v2;
	v0 =	vmul.f32 $1.442695020e+00, v0  }
0x2e8: {  	v3 =	vsub.f32 $0.0e+00, v5;
	(erf) = vpow2.f32 v1  }
0x2e9: {  	v2 =	vsub.f32 $0.0e+00, v6;
	(erf) = vpow2.f32 v0  }
0x2ea: {  	v4 =	vsub.f32 $0.0e+00, v7;
	v3 =	vmul.f32 $1.442695020e+00, v3  }
0x2eb: {  	v1 =	vmul.f32 $1.442695020e+00, v2  }
0x2ec: {  	v0 =	vld [tilespmem:s8+$0x0];
	v2 =	vmul.f32 $1.442695020e+00, v4;
	(erf) = vpow2.f32 v3  }
0x2ed: {  	v3 =	vld [tilespmem:s8+$0xFFFFFFA0];
	(erf) = vpow2.f32 v1  }
0x2ee: {  	v1 =	vld [tilespmem:s8+$0xFFFFFFB0];
	(erf) = vpow2.f32 v2;
	v4 =	vpop (erf)  }
0x2ef: {  	v15 =	vld.idx.msk [tilespmem:v9+s3+$0x0], $0xffff;
	v4 =	vadd.f32 $1.000000000e+00, v4;
	v6 =	vpop (erf)  }
0x2f0: {  	v2 =	vld [tilespmem:s8+$0xFFFFFFC0];
	v6 =	vadd.f32 $1.000000000e+00, v6;
	v8 =	vpop (erf)  }
0x2f1: {  	v7 =	vld [tilespmem:s8+$0xFFFFFFE0];
	v8 =	vadd.f32 $1.000000000e+00, v8;
	(erf) = vrcp.f32 v4;
	v10 =	vpop (erf)  }
0x2f2: {  	v5 =	vld [tilespmem:s8+$0xFFFFFFD0];
	(erf) = vrcp.f32 v6;
	v6 =	vadd.f32 $1.000000000e+00, v10;
	v10 =	vpop (erf)  }
0x2f3: {  	v4 =	vld [tilespmem:s8+$0xFFFFFF90];
	(erf) = vrcp.f32 v8;
	v8 =	vadd.f32 $1.000000000e+00, v10  }
0x2f4: {  	v0 =	vld.idx.msk [tilespmem:v0+s3+$0x0], $0xffff  }
0x2f5: {  	v3 =	vld.idx.msk [tilespmem:v3+s3+$0x0], $0xffff;
	v10 =	vpop (erf)  }
0x2f6: {  	s6 =	simm.s32 $0x1CB40;
	v1 =	vld.idx.msk [tilespmem:v1+s3+$0x0], $0xffff;
	v10 =	vadd.f32 $1.000000000e+00, v10;
	v11 =	vpop (erf);
	(erf) = vrcp.f32 v6  }
0x2f7: {  	v6 =	vadd.f32 $1.000000000e+00, v11;
	v11 =	vld [tilespmem:s6+$0x30];
	(erf) = vrcp.f32 v8;
	v8 =	vpop (erf)  }
0x2f8: {  	v12 =	vld.idx.msk [tilespmem:v2+s3+$0x0], $0xffff;
	(erf) = vrcp.f32 v10;
	v2 =	vadd.f32 $1.000000000e+00, v8  }
0x2f9: {  	v7 =	vld.idx.msk [tilespmem:v7+s3+$0x0], $0xffff;
	v0 =	vsub.f32 $0.0e+00, v0;
	(erf) = vrcp.f32 v6  }
0x2fa: {  	v3 =	vsub.f32 $0.0e+00, v3;
	v8 =	vld.idx.msk [tilespmem:v5+s3+$0x0], $0xffff;
	(erf) = vrcp.f32 v2  }
0x2fb: {  	v9 =	vmul.f32 $1.442695020e+00, v0;
	v10 =	vld.idx.msk [tilespmem:v4+s3+$0x0], $0xffff;
	v4 =	vpop (erf)  }
0x2fc: {  	v6 =	vsub.f32 $0.0e+00, v1;
	v11 =	vmul.f32 v4, v11;
	v4 =	vmul.f32 $1.442695020e+00, v3  }
0x2fd: {  	v5 =	vld [tilespmem:s6+$0xFFFFFFD0];
	v12 =	vsub.f32 $0.0e+00, v12;
	v1 =	vpop (erf)  }
0x2fe: {  	v2 =	vld [tilespmem:s6+$0xFFFFFFC0];
	v13 =	vmul.f32 $1.442695020e+00, v6;
	(erf) = vpow2.f32 v9;
	v0 =	vpop (erf)  }
0x2ff: {  	v6 =	vld [tilespmem:s6+$0xFFFFFFE0];
	v12 =	vmul.f32 $1.442695020e+00, v12;
	v9 =	vsub.f32 $0.0e+00, v8;
	v3 =	vpop (erf);
	(erf) = vpow2.f32 v4  }
0x300: {  	v14 =	vsub.f32 $0.0e+00, v7;
	v8 =	vld [tilespmem:s6+$0xFFFFFFF0];
	(erf) = vpow2.f32 v13;
	v4 =	vpop (erf)  }
0x301: {  	[tilespmem:s6+$0x30] =	vst v11;
	v11 =	vld [tilespmem:s6+$0x20];
	v16 =	vsub.f32 $0.0e+00, v10;
	v17 =	vmul.f32 $1.442695020e+00, v9;
	v7 =	vpop (erf)  }
0x302: {  	v15 =	vsub.f32 $0.0e+00, v15;
	v14 =	vmul.f32 $1.442695020e+00, v14;
	v10 =	vld [tilespmem:s6+$0x10];
	(erf) = vpow2.f32 v12;
	v13 =	vpop (erf)  }
0x303: {  	s7 =	simm.s32 $0x8;
	s8 =	simm.s32 $0x1A870;
	v9 =	vld [tilespmem:s6+$0x0];
	v16 =	vmul.f32 $1.442695020e+00, v16;
	(erf) = vpow2.f32 v17;
	v12 =	vpop (erf)  }
.LBB2_14:
0x304: {  	v17 =	vld [tilespmem:s8+$0x0];
	s7 =	sadd.s32 $0x8, s7;
	v18 =	vmul.f32 $1.442695020e+00, v15;
	(erf) = vpow2.f32 v14  }
0x305: {  	v2 =	vmul.f32 v13, v2;
	v14 =	vld [tilespmem:s8+$0xFFFFFFA0];
	p0 =	slt.u32 s7, $0xF8;
	(erf) = vpow2.f32 v16  }
0x306: {  	v1 =	vmul.f32 v1, v5;
	v13 =	vld [tilespmem:s8+$0xFFFFFFB0];
	(erf) = vpow2.f32 v18  }
0x307: {  	v0 =	vmul.f32 v0, v6;
	v5 =	vld [tilespmem:s8+$0xFFFFFFC0];
	v15 =	vpop (erf);
	[tilespmem:s6+$0xFFFFFFC0] =	vst v2;
	v2 =	vmul.f32 v3, v8  }
0x308: {  	v3 =	vld [tilespmem:s8+$0xFFFFFFD0];
	v15 =	vadd.f32 $1.000000000e+00, v15;
	v8 =	vpop (erf);
	[tilespmem:s6+$0xFFFFFFD0] =	vst v1;
	v1 =	vmul.f32 v4, v9;
	v4 =	vmul.f32 v7, v10  }
0x309: {  	v7 =	vld [tilespmem:s8+$0xFFFFFFE0];
	v16 =	vadd.f32 $1.000000000e+00, v8;
	v9 =	vpop (erf);
	[tilespmem:s6+$0xFFFFFFE0] =	vst v0;
	v0 =	vmul.f32 v12, v11  }
0x30a: {  	v10 =	vld [tilespmem:s8+$0xFFFFFFF0];
	v11 =	vadd.f32 $1.000000000e+00, v9;
	(erf) = vrcp.f32 v15;
	[tilespmem:s6+$0xFFFFFFF0] =	vst v2  }
0x30b: {  	v2 =	vld [tilespmem:s8+$0xFFFFFF90];
	(erf) = vrcp.f32 v16;
	v6 =	vpop (erf);
	[tilespmem:s6+$0x0] =	vst v1  }
0x30c: {  	v1 =	vld.idx.msk [tilespmem:v17+s3+$0x0], $0xffff;
	v6 =	vadd.f32 $1.000000000e+00, v6;
	(erf) = vrcp.f32 v11;
	v8 =	vpop (erf);
	[tilespmem:s6+$0x10] =	vst v4  }
0x30d: {  	v4 =	vld.idx.msk [tilespmem:v14+s3+$0x0], $0xffff;
	v12 =	vadd.f32 $1.000000000e+00, v8;
	v9 =	vpop (erf);
	[tilespmem:s6+$0x20] =	vst v0  }
0x30e: {  	s6 =	sadd.s32 $0x80, s6;
	v0 =	vld.idx.msk [tilespmem:v13+s3+$0x0], $0xffff;
	v9 =	vadd.f32 $1.000000000e+00, v9;
	v11 =	vpop (erf);
	(erf) = vrcp.f32 v6  }
0x30f: {  	v6 =	vadd.f32 $1.000000000e+00, v11;
	v11 =	vld [tilespmem:s6+$0x30];
	(erf) = vrcp.f32 v12;
	v8 =	vpop (erf)  }
0x310: {  	v5 =	vld.idx.msk [tilespmem:v5+s3+$0x0], $0xffff;
	v8 =	vadd.f32 $1.000000000e+00, v8;
	(erf) = vrcp.f32 v9  }
0x311: {  	v3 =	vld.idx.msk [tilespmem:v3+s3+$0x0], $0xffff;
	(erf) = vrcp.f32 v6  }
0x312: {  	v12 =	vsub.f32 $0.0e+00, v1;
	v7 =	vld.idx.msk [tilespmem:v7+s3+$0x0], $0xffff;
	(erf) = vrcp.f32 v8  }
0x313: {  	v9 =	vld.idx.msk [tilespmem:v2+s3+$0x0], $0xffff;
	v2 =	vsub.f32 $0.0e+00, v4;
	v4 =	vpop (erf)  }
0x314: {  	v6 =	vsub.f32 $0.0e+00, v0;
	v8 =	vmul.f32 $1.442695020e+00, v12;
	v10 =	vld.idx.msk [tilespmem:v10+s3+$0x0], $0xffff;
	v4 =	vmul.f32 v4, v11;
	v1 =	vpop (erf)  }
0x315: {  	v11 =	vmul.f32 $1.442695020e+00, v2;
	v2 =	vld [tilespmem:s6+$0xFFFFFFC0];
	v0 =	vpop (erf)  }
0x316: {  	v12 =	vmul.f32 $1.442695020e+00, v6;
	v13 =	vsub.f32 $0.0e+00, v5;
	(erf) = vpow2.f32 v8;
	v5 =	vld [tilespmem:s6+$0xFFFFFFD0];
	[tilespmem:s6+$0x30] =	vst v4  }
.Ltmp6:
0x317: {  	v14 =	vsub.f32 $0.0e+00, v3;
	(erf) = vpow2.f32 v11;
	v6 =	vld [tilespmem:s6+$0xFFFFFFE0];
	v3 =	vpop (erf);
	(pc) =	sbr.rel @p0 .LBB2_14-.Ltmp6, $4  }
0x318: {  	v11 =	vmul.f32 $1.442695020e+00, v13;
	v16 =	vsub.f32 $0.0e+00, v7;
	(erf) = vpow2.f32 v12;
	v8 =	vld [tilespmem:s6+$0xFFFFFFF0];
	v4 =	vpop (erf)  }
0x319: {  	v18 =	vsub.f32 $0.0e+00, v9;
	v17 =	vmul.f32 $1.442695020e+00, v14;
	v9 =	vld [tilespmem:s6+$0x0];
	v7 =	vpop (erf)  }
0x31a: {  	v14 =	vmul.f32 $1.442695020e+00, v16;
	v15 =	vsub.f32 $0.0e+00, v10;
	(erf) = vpow2.f32 v11;
	v10 =	vld [tilespmem:s6+$0x10];
	v13 =	vpop (erf)  }
0x31b: {  	s8 =	sadd.s32 $0x80, s8;
	v16 =	vmul.f32 $1.442695020e+00, v18;
	(erf) = vpow2.f32 v17;
	v11 =	vld [tilespmem:s6+$0x20];
	v12 =	vpop (erf)  }
0x31c: {  	_ =	sdelay $0x2  }
0x31d: {  	(erf) = vpow2.f32 v14;
	v14 =	vmul.f32 $1.442695020e+00, v15;
	v15 =	vpop (erf)  }
0x31e: {  	(erf) = vpow2.f32 v16;
	v15 =	vadd.f32 $1.000000000e+00, v15;
	_ =	sdelay $0x1  }
0x31f: {  	v16 =	vpop (erf)  }
0x320: {  	(erf) = vpow2.f32 v14;
	v14 =	vadd.f32 $1.000000000e+00, v16;
	v16 =	vpop (erf)  }
0x321: {  	v16 =	vadd.f32 $1.000000000e+00, v16;
	(erf) = vrcp.f32 v15;
	v15 =	vpop (erf)  }
0x322: {  	(erf) = vrcp.f32 v14;
	v14 =	vadd.f32 $1.000000000e+00, v15;
	_ =	sdelay $0x1  }
0x323: {  	v15 =	vpop (erf)  }
0x324: {  	(erf) = vrcp.f32 v16;
	v15 =	vadd.f32 $1.000000000e+00, v15;
	v16 =	vpop (erf)  }
0x325: {  	v16 =	vadd.f32 $1.000000000e+00, v16;
	(erf) = vrcp.f32 v14;
	v14 =	vpop (erf)  }
0x326: {  	(erf) = vrcp.f32 v15;
	v14 =	vadd.f32 $1.000000000e+00, v14  }
0x327: {  	(erf) = vrcp.f32 v16  }
0x328: {  	(erf) = vrcp.f32 v14  }
0x329: {  	v2 =	vmul.f32 v13, v2;
	v13 =	vpop (erf)  }
0x32a: {  	s7 =	sadd.s32 $0x80, s6;
	v0 =	vmul.f32 v0, v6;
	v6 =	vadd.f32 $1.000000000e+00, v13  }
0x32b: {  	v1 =	vmul.f32 v1, v5;
	[tilespmem:s6+$0xFFFFFFC0] =	vst v2;
	v2 =	vld [tilespmem:s7+$0x30];
	v5 =	vpop (erf)  }
0x32c: {  	v13 =	vpop (erf)  }
0x32d: {  	v3 =	vmul.f32 v3, v8;
	[tilespmem:s6+$0xFFFFFFD0] =	vst v1;
	v1 =	vld [tilespmem:s7+$0xFFFFFFC0];
	v7 =	vmul.f32 v7, v10;
	v8 =	vpop (erf)  }
0x32e: {  	v4 =	vmul.f32 v4, v9;
	[tilespmem:s6+$0xFFFFFFE0] =	vst v0;
	v0 =	vld [tilespmem:s7+$0xFFFFFFD0];
	(erf) = vrcp.f32 v6;
	v6 =	vpop (erf)  }
0x32f: {  	[tilespmem:s6+$0xFFFFFFF0] =	vst v3;
	v3 =	vld [tilespmem:s7+$0xFFFFFFE0];
	v9 =	vpop (erf)  }
0x330: {  	v10 =	vmul.f32 v12, v11;
	[tilespmem:s6+$0x0] =	vst v4;
	v2 =	vmul.f32 v5, v2;
	v5 =	vld [tilespmem:s7+$0x0];
	v11 =	vpop (erf)  }
0x331: {  	[tilespmem:s6+$0x10] =	vst v7;
	v7 =	vpop (erf)  }
0x332: {  	v4 =	vld [tilespmem:s7+$0xFFFFFFF0];
	[tilespmem:s6+$0x20] =	vst v10;
	v1 =	vmul.f32 v7, v1  }
0x333: {  	v10 =	vld [tilespmem:s7+$0x10];
	v0 =	vmul.f32 v13, v0;
	[tilespmem:s7+$0x30] =	vst v2  }
0x334: {  	v2 =	vld [tilespmem:s7+$0x20];
	[tilespmem:s7+$0xFFFFFFC0] =	vst v1;
	v1 =	vmul.f32 v8, v3  }
0x335: {  	[tilespmem:s7+$0xFFFFFFD0] =	vst v0;
	v0 =	vmul.f32 v9, v5;
	_ =	sdelay $0x1  }
0x336: {  	[tilespmem:s7+$0x0] =	vst v0;
	v3 =	vmul.f32 v6, v4  }
0x337: {  	v4 =	vmul.f32 v11, v10;
	[tilespmem:s7+$0xFFFFFFE0] =	vst v1;
	v1 =	vpop (erf)  }
0x338: {  	[tilespmem:s7+$0xFFFFFFF0] =	vst v3;
	v1 =	vmul.f32 v1, v2  }
0x339: {  	[tilespmem:s7+$0x10] =	vst v4  }
0x33a: {  	[tilespmem:s7+$0x20] =	vst v1  }
0x33b: {  	[hbm4b:s21+s26] =	stream.strided.scatter [tilespmem:s29], [sflag:$0x4], $0x1000, s28, s26, $0x38;
	[tilespmem:$0x1EB00] =	vst v63  }
0x33c: {  	_ =	swait.ge [sflag:s31], $0x1000  }
0x33d: {  	[sflag:s31] =	ssyncset.done $0x0  }
0x33e: {  	s7 =	simm.s32 $0x1B770;
	[sflag:s31] =	ssyncadd.s32 $0xFFFFF000  }
0x33f: {  	v0 =	vld [tilespmem:s7+$0x0]  }
0x340: {  	v1 =	vld [tilespmem:s7+$0xFFFFFFA0]  }
0x341: {  	v2 =	vld [tilespmem:s7+$0xFFFFFFB0]  }
0x342: {  	v3 =	vld [tilespmem:s7+$0xFFFFFFC0]  }
0x343: {  	v4 =	vld [tilespmem:s7+$0xFFFFFFD0]  }
0x344: {  	v5 =	vld [tilespmem:s7+$0xFFFFFFE0]  }
0x345: {  	v6 =	vld [tilespmem:s7+$0xFFFFFF90]  }
0x346: {  	v7 =	vld [tilespmem:s7+$0xFFFFFFF0]  }
0x347: {  	v0 =	vld.idx.msk [tilespmem:v0+s3+$0x0], $0xffff  }
0x348: {  	v1 =	vld.idx.msk [tilespmem:v1+s3+$0x0], $0xffff  }
0x349: {  	v2 =	vld.idx.msk [tilespmem:v2+s3+$0x0], $0xffff  }
0x34a: {  	v3 =	vld.idx.msk [tilespmem:v3+s3+$0x0], $0xffff  }
0x34b: {  	v4 =	vld.idx.msk [tilespmem:v4+s3+$0x0], $0xffff  }
0x34c: {  	v0 =	vsub.f32 $0.0e+00, v0  }
0x34d: {  	v1 =	vsub.f32 $0.0e+00, v1  }
0x34e: {  	v5 =	vld.idx.msk [tilespmem:v5+s3+$0x0], $0xffff;
	v2 =	vsub.f32 $0.0e+00, v2;
	v0 =	vmul.f32 $1.442695020e+00, v0  }
0x34f: {  	v6 =	vld.idx.msk [tilespmem:v6+s3+$0x0], $0xffff;
	v3 =	vsub.f32 $0.0e+00, v3;
	v1 =	vmul.f32 $1.442695020e+00, v1  }
0x350: {  	v7 =	vld.idx.msk [tilespmem:v7+s3+$0x0], $0xffff;
	v2 =	vmul.f32 $1.442695020e+00, v2;
	(erf) = vpow2.f32 v0;
	v0 =	vsub.f32 $0.0e+00, v4  }
0x351: {  	s8 =	simm.s32 $0x1B7F0;
	(erf) = vpow2.f32 v1;
	v1 =	vmul.f32 $1.442695020e+00, v3  }
0x352: {  	v9 =	vld [tilespmem:s8+$0xFFFFFFF0];
	(erf) = vpow2.f32 v2;
	v0 =	vmul.f32 $1.442695020e+00, v0  }
0x353: {  	v3 =	vsub.f32 $0.0e+00, v5;
	(erf) = vpow2.f32 v1  }
0x354: {  	v2 =	vsub.f32 $0.0e+00, v6;
	(erf) = vpow2.f32 v0  }
0x355: {  	v4 =	vsub.f32 $0.0e+00, v7;
	v3 =	vmul.f32 $1.442695020e+00, v3  }
0x356: {  	v1 =	vmul.f32 $1.442695020e+00, v2  }
0x357: {  	v0 =	vld [tilespmem:s8+$0x0];
	v2 =	vmul.f32 $1.442695020e+00, v4;
	(erf) = vpow2.f32 v3  }
0x358: {  	v3 =	vld [tilespmem:s8+$0xFFFFFFA0];
	(erf) = vpow2.f32 v1  }
0x359: {  	v1 =	vld [tilespmem:s8+$0xFFFFFFB0];
	(erf) = vpow2.f32 v2;
	v4 =	vpop (erf)  }
0x35a: {  	v15 =	vld.idx.msk [tilespmem:v9+s3+$0x0], $0xffff;
	v4 =	vadd.f32 $1.000000000e+00, v4;
	v6 =	vpop (erf)  }
0x35b: {  	v2 =	vld [tilespmem:s8+$0xFFFFFFC0];
	v6 =	vadd.f32 $1.000000000e+00, v6;
	v8 =	vpop (erf)  }
0x35c: {  	v7 =	vld [tilespmem:s8+$0xFFFFFFE0];
	v8 =	vadd.f32 $1.000000000e+00, v8;
	(erf) = vrcp.f32 v4;
	v10 =	vpop (erf)  }
0x35d: {  	v5 =	vld [tilespmem:s8+$0xFFFFFFD0];
	(erf) = vrcp.f32 v6;
	v6 =	vadd.f32 $1.000000000e+00, v10;
	v10 =	vpop (erf)  }
0x35e: {  	v4 =	vld [tilespmem:s8+$0xFFFFFF90];
	(erf) = vrcp.f32 v8;
	v8 =	vadd.f32 $1.000000000e+00, v10  }
0x35f: {  	v0 =	vld.idx.msk [tilespmem:v0+s3+$0x0], $0xffff  }
0x360: {  	v3 =	vld.idx.msk [tilespmem:v3+s3+$0x0], $0xffff;
	v10 =	vpop (erf)  }
0x361: {  	s6 =	simm.s32 $0x1DB40;
	v1 =	vld.idx.msk [tilespmem:v1+s3+$0x0], $0xffff;
	v10 =	vadd.f32 $1.000000000e+00, v10;
	v11 =	vpop (erf);
	(erf) = vrcp.f32 v6  }
0x362: {  	v6 =	vadd.f32 $1.000000000e+00, v11;
	v11 =	vld [tilespmem:s6+$0x30];
	(erf) = vrcp.f32 v8;
	v8 =	vpop (erf)  }
0x363: {  	v12 =	vld.idx.msk [tilespmem:v2+s3+$0x0], $0xffff;
	(erf) = vrcp.f32 v10;
	v2 =	vadd.f32 $1.000000000e+00, v8  }
0x364: {  	v7 =	vld.idx.msk [tilespmem:v7+s3+$0x0], $0xffff;
	v0 =	vsub.f32 $0.0e+00, v0;
	(erf) = vrcp.f32 v6  }
0x365: {  	v3 =	vsub.f32 $0.0e+00, v3;
	v8 =	vld.idx.msk [tilespmem:v5+s3+$0x0], $0xffff;
	(erf) = vrcp.f32 v2  }
0x366: {  	v9 =	vmul.f32 $1.442695020e+00, v0;
	v10 =	vld.idx.msk [tilespmem:v4+s3+$0x0], $0xffff;
	v4 =	vpop (erf)  }
0x367: {  	v6 =	vsub.f32 $0.0e+00, v1;
	v11 =	vmul.f32 v4, v11;
	v4 =	vmul.f32 $1.442695020e+00, v3  }
0x368: {  	v5 =	vld [tilespmem:s6+$0xFFFFFFD0];
	v12 =	vsub.f32 $0.0e+00, v12;
	v1 =	vpop (erf)  }
0x369: {  	v2 =	vld [tilespmem:s6+$0xFFFFFFC0];
	v13 =	vmul.f32 $1.442695020e+00, v6;
	(erf) = vpow2.f32 v9;
	v0 =	vpop (erf)  }
0x36a: {  	v6 =	vld [tilespmem:s6+$0xFFFFFFE0];
	v12 =	vmul.f32 $1.442695020e+00, v12;
	v9 =	vsub.f32 $0.0e+00, v8;
	v3 =	vpop (erf);
	(erf) = vpow2.f32 v4  }
0x36b: {  	v14 =	vsub.f32 $0.0e+00, v7;
	v8 =	vld [tilespmem:s6+$0xFFFFFFF0];
	(erf) = vpow2.f32 v13;
	v4 =	vpop (erf)  }
0x36c: {  	[tilespmem:s6+$0x30] =	vst v11;
	v11 =	vld [tilespmem:s6+$0x20];
	v16 =	vsub.f32 $0.0e+00, v10;
	v17 =	vmul.f32 $1.442695020e+00, v9;
	v7 =	vpop (erf)  }
0x36d: {  	v15 =	vsub.f32 $0.0e+00, v15;
	v14 =	vmul.f32 $1.442695020e+00, v14;
	v10 =	vld [tilespmem:s6+$0x10];
	(erf) = vpow2.f32 v12;
	v13 =	vpop (erf)  }
0x36e: {  	s7 =	simm.s32 $0x8;
	s8 =	simm.s32 $0x1B870;
	v9 =	vld [tilespmem:s6+$0x0];
	v16 =	vmul.f32 $1.442695020e+00, v16;
	(erf) = vpow2.f32 v17;
	v12 =	vpop (erf)  }
.LBB2_16:
0x36f: {  	v17 =	vld [tilespmem:s8+$0x0];
	s7 =	sadd.s32 $0x8, s7;
	v18 =	vmul.f32 $1.442695020e+00, v15;
	(erf) = vpow2.f32 v14  }
0x370: {  	v2 =	vmul.f32 v13, v2;
	v14 =	vld [tilespmem:s8+$0xFFFFFFA0];
	p0 =	slt.u32 s7, $0xF8;
	(erf) = vpow2.f32 v16  }
0x371: {  	v1 =	vmul.f32 v1, v5;
	v13 =	vld [tilespmem:s8+$0xFFFFFFB0];
	(erf) = vpow2.f32 v18  }
0x372: {  	v0 =	vmul.f32 v0, v6;
	v5 =	vld [tilespmem:s8+$0xFFFFFFC0];
	v15 =	vpop (erf);
	[tilespmem:s6+$0xFFFFFFC0] =	vst v2;
	v2 =	vmul.f32 v3, v8  }
0x373: {  	v3 =	vld [tilespmem:s8+$0xFFFFFFD0];
	v15 =	vadd.f32 $1.000000000e+00, v15;
	v8 =	vpop (erf);
	[tilespmem:s6+$0xFFFFFFD0] =	vst v1;
	v1 =	vmul.f32 v4, v9;
	v4 =	vmul.f32 v7, v10  }
0x374: {  	v7 =	vld [tilespmem:s8+$0xFFFFFFE0];
	v16 =	vadd.f32 $1.000000000e+00, v8;
	v9 =	vpop (erf);
	[tilespmem:s6+$0xFFFFFFE0] =	vst v0;
	v0 =	vmul.f32 v12, v11  }
0x375: {  	v10 =	vld [tilespmem:s8+$0xFFFFFFF0];
	v11 =	vadd.f32 $1.000000000e+00, v9;
	(erf) = vrcp.f32 v15;
	[tilespmem:s6+$0xFFFFFFF0] =	vst v2  }
0x376: {  	v2 =	vld [tilespmem:s8+$0xFFFFFF90];
	(erf) = vrcp.f32 v16;
	v6 =	vpop (erf);
	[tilespmem:s6+$0x0] =	vst v1  }
0x377: {  	v1 =	vld.idx.msk [tilespmem:v17+s3+$0x0], $0xffff;
	v6 =	vadd.f32 $1.000000000e+00, v6;
	(erf) = vrcp.f32 v11;
	v8 =	vpop (erf);
	[tilespmem:s6+$0x10] =	vst v4  }
0x378: {  	v4 =	vld.idx.msk [tilespmem:v14+s3+$0x0], $0xffff;
	v12 =	vadd.f32 $1.000000000e+00, v8;
	v9 =	vpop (erf);
	[tilespmem:s6+$0x20] =	vst v0  }
0x379: {  	s6 =	sadd.s32 $0x80, s6;
	v0 =	vld.idx.msk [tilespmem:v13+s3+$0x0], $0xffff;
	v9 =	vadd.f32 $1.000000000e+00, v9;
	v11 =	vpop (erf);
	(erf) = vrcp.f32 v6  }
0x37a: {  	v6 =	vadd.f32 $1.000000000e+00, v11;
	v11 =	vld [tilespmem:s6+$0x30];
	(erf) = vrcp.f32 v12;
	v8 =	vpop (erf)  }
0x37b: {  	v5 =	vld.idx.msk [tilespmem:v5+s3+$0x0], $0xffff;
	v8 =	vadd.f32 $1.000000000e+00, v8;
	(erf) = vrcp.f32 v9  }
0x37c: {  	v3 =	vld.idx.msk [tilespmem:v3+s3+$0x0], $0xffff;
	(erf) = vrcp.f32 v6  }
0x37d: {  	v12 =	vsub.f32 $0.0e+00, v1;
	v7 =	vld.idx.msk [tilespmem:v7+s3+$0x0], $0xffff;
	(erf) = vrcp.f32 v8  }
0x37e: {  	v9 =	vld.idx.msk [tilespmem:v2+s3+$0x0], $0xffff;
	v2 =	vsub.f32 $0.0e+00, v4;
	v4 =	vpop (erf)  }
0x37f: {  	v6 =	vsub.f32 $0.0e+00, v0;
	v8 =	vmul.f32 $1.442695020e+00, v12;
	v10 =	vld.idx.msk [tilespmem:v10+s3+$0x0], $0xffff;
	v4 =	vmul.f32 v4, v11;
	v1 =	vpop (erf)  }
0x380: {  	v11 =	vmul.f32 $1.442695020e+00, v2;
	v2 =	vld [tilespmem:s6+$0xFFFFFFC0];
	v0 =	vpop (erf)  }
0x381: {  	v12 =	vmul.f32 $1.442695020e+00, v6;
	v13 =	vsub.f32 $0.0e+00, v5;
	(erf) = vpow2.f32 v8;
	v5 =	vld [tilespmem:s6+$0xFFFFFFD0];
	[tilespmem:s6+$0x30] =	vst v4  }
.Ltmp7:
0x382: {  	v14 =	vsub.f32 $0.0e+00, v3;
	(erf) = vpow2.f32 v11;
	v6 =	vld [tilespmem:s6+$0xFFFFFFE0];
	v3 =	vpop (erf);
	(pc) =	sbr.rel @p0 .LBB2_16-.Ltmp7, $4  }
0x383: {  	v11 =	vmul.f32 $1.442695020e+00, v13;
	v16 =	vsub.f32 $0.0e+00, v7;
	(erf) = vpow2.f32 v12;
	v8 =	vld [tilespmem:s6+$0xFFFFFFF0];
	v4 =	vpop (erf)  }
0x384: {  	v18 =	vsub.f32 $0.0e+00, v9;
	v17 =	vmul.f32 $1.442695020e+00, v14;
	v9 =	vld [tilespmem:s6+$0x0];
	v7 =	vpop (erf)  }
0x385: {  	v14 =	vmul.f32 $1.442695020e+00, v16;
	v15 =	vsub.f32 $0.0e+00, v10;
	(erf) = vpow2.f32 v11;
	v10 =	vld [tilespmem:s6+$0x10];
	v13 =	vpop (erf)  }
0x386: {  	s8 =	sadd.s32 $0x80, s8;
	v16 =	vmul.f32 $1.442695020e+00, v18;
	(erf) = vpow2.f32 v17;
	v11 =	vld [tilespmem:s6+$0x20];
	v12 =	vpop (erf)  }
0x387: {  	(erf) = vpow2.f32 v14  }
0x388: {  	v31 =	vmul.f32 $1.442695020e+00, v15;
	(erf) = vpow2.f32 v16;
	_ =	sdelay $0x1  }
0x389: {  	v32 =	vpop (erf);
	(erf) = vpow2.f32 v31;
	_ =	sdelay $0x1  }
0x38a: {  	v15 =	vadd.f32 $1.000000000e+00, v32;
	v33 =	vpop (erf)  }
0x38b: {  	v34 =	vadd.f32 $1.000000000e+00, v33;
	v35 =	vpop (erf)  }
0x38c: {  	v16 =	vadd.f32 $1.000000000e+00, v35;
	(erf) = vrcp.f32 v15;
	v36 =	vpop (erf)  }
0x38d: {  	(erf) = vrcp.f32 v34;
	v37 =	vadd.f32 $1.000000000e+00, v36;
	v38 =	vpop (erf)  }
0x38e: {  	(erf) = vrcp.f32 v16;
	v15 =	vadd.f32 $1.000000000e+00, v38;
	v39 =	vpop (erf)  }
0x38f: {  	v16 =	vadd.f32 $1.000000000e+00, v39;
	(erf) = vrcp.f32 v37;
	v40 =	vpop (erf)  }
0x390: {  	v2 =	vmul.f32 v13, v2;
	v14 =	vadd.f32 $1.000000000e+00, v40;
	(erf) = vrcp.f32 v15  }
0x391: {  	v1 =	vmul.f32 v1, v5;
	s7 =	sadd.s32 $0x80, s6;
	(erf) = vrcp.f32 v16;
	v41 =	vpop (erf)  }
0x392: {  	v0 =	vmul.f32 v0, v6;
	v43 =	vld [tilespmem:s7+$0x30];
	[tilespmem:s6+$0xFFFFFFC0] =	vst v2;
	(erf) = vrcp.f32 v14;
	v44 =	vadd.f32 $1.000000000e+00, v41  }
0x393: {  	v3 =	vmul.f32 v3, v8;
	v48 =	vld [tilespmem:s7+$0xFFFFFFD0];
	[tilespmem:s6+$0xFFFFFFD0] =	vst v1  }
0x394: {  	v50 =	vld [tilespmem:s7+$0xFFFFFFE0];
	v4 =	vmul.f32 v4, v9;
	[tilespmem:s6+$0xFFFFFFE0] =	vst v0;
	(erf) = vrcp.f32 v44  }
0x395: {  	v53 =	vld [tilespmem:s7+$0xFFFFFFF0];
	v7 =	vmul.f32 v7, v10;
	[tilespmem:s6+$0xFFFFFFF0] =	vst v3;
	v42 =	vpop (erf)  }
0x396: {  	v55 =	vld [tilespmem:s7+$0x0];
	v52 =	vmul.f32 v12, v11;
	[tilespmem:s6+$0x0] =	vst v4;
	v45 =	vpop (erf)  }
0x397: {  	v46 =	vld [tilespmem:s7+$0xFFFFFFC0];
	[tilespmem:s6+$0x10] =	vst v7;
	v2 =	vmul.f32 v42, v43;
	v47 =	vpop (erf)  }
0x398: {  	v57 =	vld [tilespmem:s7+$0x10];
	[tilespmem:s6+$0x20] =	vst v52;
	v0 =	vmul.f32 v45, v48;
	v49 =	vpop (erf)  }
0x399: {  	v58 =	vld [tilespmem:s7+$0x20];
	[tilespmem:s7+$0x30] =	vst v2;
	v59 =	vmul.f32 v47, v50;
	v51 =	vpop (erf)  }
0x39a: {  	[tilespmem:s7+$0xFFFFFFD0] =	vst v0;
	v60 =	vmul.f32 v49, v53;
	v54 =	vpop (erf)  }
0x39b: {  	[tilespmem:s7+$0xFFFFFFE0] =	vst v59;
	v61 =	vmul.f32 v51, v55;
	v56 =	vpop (erf)  }
0x39c: {  	[tilespmem:s7+$0xFFFFFFF0] =	vst v60;
	v1 =	vmul.f32 v56, v46  }
0x39d: {  	v63 =	vmul.f32 v54, v57;
	[tilespmem:s7+$0x0] =	vst v61;
	v62 =	vpop (erf)  }
0x39e: {  	[tilespmem:s7+$0xFFFFFFC0] =	vst v1;
	v1 =	vmul.f32 v62, v58  }
0x39f: {  	[tilespmem:s7+$0x10] =	vst v63  }
0x3a0: {  	s5 =	sadd.s32 $0x1, s5;
	[tilespmem:s7+$0x20] =	vst v1  }
0x3a1: {  	[hbm4b:s22+s26] =	stream.strided.scatter [tilespmem:s2], [sflag:$0x5], $0x1000, s28, s26, $0x38;
	[tilespmem:$0x1EB00] =	vst v63  }
0x3a2: {  	p0 =	sne.s32 s5, s24;
	_ =	swait.ge [sflag:s1], $0x1000  }
.Ltmp8:
0x3a3: {  	[sflag:s1] =	ssyncset.done $0x0;
	(pc) =	sbr.rel @p0 .LBB2_1-.Ltmp8, $4  }
0x3a4: {  	[sflag:s1] =	ssyncadd.s32 $0xFFFFF000  }
0x3a5: {  	_ =	swait.ge [sflag:s4], $0x1000  }
0x3a6: {  	[sflag:s4] =	ssyncset.done $0x0  }
0x3a7: {  	[sflag:s4] =	ssyncadd.s32 $0xFFFFF000  }
0x3a8: {  	_ =	sfence.sel $0x180000  }
0x3a9: {  	[bflag:$0x0] =	sbarrier.arrive $0xFFFF  }
0x3aa: {  	_ =	strace $0x90000047  }
0x3ab: {  	s0 =	stileid.u32;
	[bflag:$0x2] =	sbarrier.arrive $0xFFFF  }
0x3ac: {  	p0 =	sne.s32 s0, $0x0;
	s0 =	rddreg [dreg:$0x5]  }
0x3ad: {  	s0 =	sadd.s32 @!p0 $0x100000, s0  }
0x3ae: {  	[sflag:s0] =	ssyncadd.tile.s32 @!p0 $0x1;
	_ =	shalt  }
.Lfunc_end2:
_tile_overlayer_lowered:
.L_overlay_start_2:
0x3af: {  	(tag) =	ssettag $0x2  }
0x3b0: {  	s0 =	rddreg [dreg:$0x0];
	s2 =	stileid.u32  }
0x3b1: {  	s1 =	rddreg [dreg:$0x1];
	p0 =	sne.s32 s2, $0x0  }
0x3b2: {  	s3 =	rddreg [dreg:$0x2];
	[bflag:$0x3] =	sbarrier.arrive $0xFFFF;
	s2 =	simm.s32 @!p0 $0x1C06  }
0x3b3: {  	[timem:s3], [sflag:s2] =	dma.local @!p0 [hbm:s0], s1  }
0x3b4: {  	s0 =	simm.s32 @!p0 $0x6  }
0x3b5: {  	_ =	swait.ge @!p0 [sflag:s0], s1  }
0x3b6: {  	s1 =	ssub.s32 @!p0 $0x0, s1;
	[sflag:s0] =	ssyncset.done @!p0 $0x0  }
0x3b7: {  	[sflag:s0] =	ssyncadd.s32 @!p0 s1  }
0x3b8: {  	[bflag:$0x3] =	sbarrier.arrive $0xFFFF  }
0x3b9: {  	_ =	shalt  }

</sc_bundles>
